<compile_context>
chip_gen: v7x
topology: tpu7x:2x2x1
jax: 0.10.2.dev20260603
libtpu: 0.0.44.dev20260713+nightly
codegen_flags: <defaults>
</compile_context>

<pallas_src>
import math

import jax
import jax.numpy as jnp
from jax import lax
from jax.experimental import pallas as pl
from jax.experimental.pallas import tpu as pltpu
from jax.experimental.pallas import tpu_sc as plsc

_NUM_HEADS = 16
_NUM_SEGMENTS = 32
_NUM_BUCKETS = 32
_MAX_DISTANCE = 128
_Q = 2048
_K = 2048
_ABS_LEN = 2048
_SEG_LEN = _NUM_SEGMENTS * _NUM_SEGMENTS
_LUT_LEN = _ABS_LEN + _SEG_LEN

_NUM_WORKERS = 32
_ROWS_PER_WORKER = _Q // _NUM_WORKERS
_LANES = 16


def _lut_body(table_ref, out_ref):
    i = lax.broadcasted_iota(jnp.int32, (_NUM_BUCKETS, _ABS_LEN), 1)
    b = lax.broadcasted_iota(jnp.int32, (_NUM_BUCKETS, _ABS_LEN), 0)
    max_exact = _NUM_BUCKETS // 2
    safe_rp = jnp.maximum(i.astype(jnp.float32), 1.0)
    rp_if_large = max_exact + (
        jnp.log(safe_rp / max_exact)
        / math.log(_MAX_DISTANCE / max_exact)
        * (_NUM_BUCKETS - max_exact)
    ).astype(jnp.int32)
    rp_if_large = jnp.minimum(rp_if_large, _NUM_BUCKETS - 1)
    abs_bucket = jnp.where(i < max_exact, i, rp_if_large)
    onehot = (abs_bucket == b).astype(jnp.float32)
    out_ref[...] = lax.dot_general(
        table_ref[...],
        onehot,
        (((0,), (0,)), ((), ())),
        preferred_element_type=jnp.float32,
        precision=lax.Precision.HIGHEST,
    )


def _build_lut(table):
    abs_lut = pl.pallas_call(
        _lut_body,
        out_shape=jax.ShapeDtypeStruct((_NUM_HEADS, _ABS_LEN), jnp.float32),
    )(table[: _NUM_BUCKETS])
    seg_lut = table[_NUM_BUCKETS :].T
    return jnp.concatenate([abs_lut, seg_lut], axis=1)


def _sc_body(
    lut_hbm, qseg_hbm, kseg_hbm, out_hbm, lut_v, ks_v, qs_v, row_a, row_b,
    sem_a, sem_b,
):
    c = lax.axis_index("c")
    s = lax.axis_index("s")
    w = s * 2 + c
    base_q = w * _ROWS_PER_WORKER

    pltpu.sync_copy(lut_hbm, lut_v)
    pltpu.sync_copy(kseg_hbm, ks_v)
    pltpu.sync_copy(qseg_hbm.at[pl.ds(base_q, _ROWS_PER_WORKER)], qs_v)

    lane_iota = lax.iota(jnp.int32, _LANES)

    def compute_row(qq, qi, buf):
        qsv = plsc.load_gather(qs_v, [jnp.broadcast_to(qi, (_LANES,))])
        segbase = _ABS_LEN + qsv * _NUM_SEGMENTS
        dbase = qq - lane_iota

        @plsc.parallel_loop(0, _K, _LANES, unroll=4)
        def k_body(k0):
            kv = ks_v[pl.ds(k0, _LANES)]
            dcl = jnp.clip(dbase - k0, 0, _ABS_LEN - 1)
            idx = jnp.where(qsv == kv, dcl, segbase + kv)
            for h in range(_NUM_HEADS):
                val = plsc.load_gather(
                    lut_v.at[pl.ds(h * _LUT_LEN, _LUT_LEN)], [idx]
                )
                buf[h, 0, pl.ds(k0, _LANES)] = val

    def drain(buf, sem):
        pltpu.make_async_copy(out_hbm.at[:, pl.ds(0, 1), :], buf, sem).wait()

    def q_body(qi, carry):
        q0 = base_q + 2 * qi

        @pl.when(qi > 0)
        def _():
            drain(row_a, sem_a)

        compute_row(q0, 2 * qi, row_a)
        pltpu.async_copy(row_a, out_hbm.at[:, pl.ds(q0, 1), :], sem_a)

        @pl.when(qi > 0)
        def _():
            drain(row_b, sem_b)

        compute_row(q0 + 1, 2 * qi + 1, row_b)
        pltpu.async_copy(row_b, out_hbm.at[:, pl.ds(q0 + 1, 1), :], sem_b)
        return carry

    lax.fori_loop(0, _ROWS_PER_WORKER // 2, q_body, 0)
    drain(row_a, sem_a)
    drain(row_b, sem_b)


@jax.jit
def _run(qseg, kseg, table):
    lut = _build_lut(table).reshape(-1)
    mesh = plsc.VectorSubcoreMesh(core_axis_name="c", subcore_axis_name="s")
    out = pl.kernel(
        _sc_body,
        out_type=jax.ShapeDtypeStruct((_NUM_HEADS, _Q, _K), jnp.float32),
        mesh=mesh,
        compiler_params=pltpu.CompilerParams(needs_layout_passes=False),
        scratch_types=[
            pltpu.VMEM((_NUM_HEADS * _LUT_LEN,), jnp.float32),
            pltpu.VMEM((_K,), jnp.int32),
            pltpu.VMEM((_ROWS_PER_WORKER,), jnp.int32),
            pltpu.VMEM((_NUM_HEADS, 1, _K), jnp.float32),
            pltpu.VMEM((_NUM_HEADS, 1, _K), jnp.float32),
            pltpu.SemaphoreType.DMA,
            pltpu.SemaphoreType.DMA,
        ],
    )(lut, qseg, kseg)
    return out


def kernel(key_pos, query_pos, key_segment, query_segment, relative_attention_bias):
    del key_pos, query_pos
    qseg = query_segment.reshape(_Q)
    kseg = key_segment.reshape(_K)
    out = _run(qseg, kseg, relative_attention_bias)
    return out.reshape(1, _NUM_HEADS, _Q, _K)

# --- scband reference (transcript-rebuilt; emitter-appended) ---
"""Pipeline reference for scband-cpm3-segment-position-embedding-996432413337 (READ-ONLY COPY).

The authoritative reference and input builder live on the scoring server;
editing this copy changes nothing except your own understanding.
"""

import jax, jax.numpy as jnp
import numpy as np
import math

NUM_HEADS = 16
NUM_SEGMENTS = 32
NUM_BUCKETS = 32
MAX_DISTANCE = 128
BIDIRECTIONAL = False
ABSOLUTE_INNER_SEGMENT = True


def _absolute_position_bucket(relative_position, bidirectional=True, num_buckets=32, max_distance=128):
    relative_buckets = jnp.zeros_like(relative_position)
    if bidirectional:
        num_buckets //= 2
        relative_buckets = (relative_position > 0).astype(jnp.int32) * num_buckets
        relative_position = jnp.abs(relative_position)
    else:
        relative_position = -jnp.minimum(relative_position, jnp.zeros_like(relative_position))
    max_exact = num_buckets // 2
    is_small = relative_position < max_exact
    # clamp inside log only for numerical safety; masked by is_small so output identical
    safe_rp = jnp.maximum(relative_position.astype(jnp.float32), 1.0)
    rp_if_large = max_exact + (jnp.log(safe_rp / max_exact) / math.log(max_distance / max_exact) * (num_buckets - max_exact)).astype(jnp.int32)
    rp_if_large = jnp.minimum(rp_if_large, jnp.full_like(rp_if_large, num_buckets - 1))
    relative_buckets = relative_buckets + jnp.where(is_small, relative_position.astype(jnp.int32), rp_if_large)
    return relative_buckets


def setup_inputs(seed: int = 0) -> dict:
    key = jax.random.key(seed)
    k1, k2, k3, k4, k5 = jax.random.split(key, 5)
    B, Q, K = 1, 2048, 2048
    key_pos = jax.random.randint(k1, (B, K), 0, 2048, dtype=jnp.int32)
    query_pos = jax.random.randint(k2, (B, Q), 0, 2048, dtype=jnp.int32)
    key_segment = jnp.sort(jax.random.randint(k3, (B, K), 0, NUM_SEGMENTS, dtype=jnp.int32), axis=-1)
    query_segment = jnp.sort(jax.random.randint(k4, (B, Q), 0, NUM_SEGMENTS, dtype=jnp.int32), axis=-1)
    table = jax.random.normal(k5, (NUM_SEGMENTS * NUM_SEGMENTS + NUM_BUCKETS, NUM_HEADS), dtype=jnp.float32) * 0.02
    return {"key_pos": key_pos, "query_pos": query_pos, "key_segment": key_segment, "query_segment": query_segment, "relative_attention_bias": table}


def reference(key_pos, query_pos, key_segment, query_segment, relative_attention_bias):
    batch = key_pos.shape[0]
    keylen = key_pos.shape[1]
    querylen = query_pos.shape[1]
    key_segment_v = key_segment.reshape(batch, -1, keylen)      # [B, 1, K]
    query_segment_v = query_segment.reshape(batch, querylen, -1)  # [B, Q, 1]
    # segment relative bucket: q_seg * num_segments + k_seg, shifted by num_buckets
    relative_position_bucket = query_segment_v * NUM_SEGMENTS + key_segment_v  # [B, Q, K]
    relative_position_bucket = relative_position_bucket + NUM_BUCKETS
    if ABSOLUTE_INNER_SEGMENT:
        rel = jnp.arange(keylen, dtype=jnp.int32)[None, :] - jnp.arange(querylen, dtype=jnp.int32)[:, None]
        absolute_position_bucket = _absolute_position_bucket(rel, bidirectional=BIDIRECTIONAL, num_buckets=NUM_BUCKETS, max_distance=MAX_DISTANCE)
        relative_position_bucket = jnp.where(key_segment_v == query_segment_v, absolute_position_bucket[None, :, :], relative_position_bucket)
    embeds = jnp.take(relative_attention_bias, relative_position_bucket, axis=0)  # [B, Q, K, H]
    embeds = jnp.transpose(embeds, (0, 3, 1, 2))  # [B, H, Q, K]
    return embeds

if __name__ == "__main__":
    import jax
    _d = setup_inputs()
    print(jax.jit(kernel)(*tuple(_d.values())))

</pallas_src>

<mosaic_0001>
#map = affine_map<(d0, d1) -> (0)>
#map1 = affine_map<(d0, d1) -> (0, 0, 0)>
module attributes {stable_mosaic.version = 14 : i64} {
  func.func @_sc_body(%arg0: i32, %arg1: i32, %arg2: memref<49152xf32, #tpu.memory_space<hbm>>, %arg3: memref<2048xi32, #tpu.memory_space<hbm>>, %arg4: memref<2048xi32, #tpu.memory_space<hbm>>, %arg5: memref<16x2048x2048xf32, #tpu.memory_space<hbm>>, %arg6: memref<49152xf32, #tpu.memory_space<vmem>>, %arg7: memref<2048xi32, #tpu.memory_space<vmem>>, %arg8: memref<64xi32, #tpu.memory_space<vmem>>, %arg9: memref<16x1x2048xf32, #tpu.memory_space<vmem>>, %arg10: memref<16x1x2048xf32, #tpu.memory_space<vmem>>, %arg11: memref<!tpu.dma_semaphore, #tpu.memory_space<semaphore_mem>>, %arg12: memref<!tpu.dma_semaphore, #tpu.memory_space<semaphore_mem>>) attributes {dimension_semantics = [#tpu.dimension_semantics<core_parallel>, #tpu.dimension_semantics<subcore_parallel>], iteration_bounds = array<i64: 2, 16>, scalar_prefetch = 0 : i64, scratch_operands = 7 : i64, tpu.core_type = #tpu.core_type<sc_vector_subcore>, window_params = [{transform_indices = #map}, {transform_indices = #map}, {transform_indices = #map}, {transform_indices = #map1}]} {
    %mul3A = arith.constant 2 : i32
    %mul3A_0 = arith.muli %arg1, %mul3A : i32
    %add3A = arith.addi %mul3A_0, %arg0 : i32
    %mul3A_1 = arith.constant 64 : i32
    %mul3A_2 = arith.muli %add3A, %mul3A_1 : i32
    "tpu.region"() ({
      %run_scoped3A = tpu.sem_alloc : memref<!tpu.dma_semaphore, #tpu.memory_space<semaphore_mem>>
      tpu.enqueue_dma source(%arg2 : memref<49152xf32, #tpu.memory_space<hbm>>) target(%arg6 : memref<49152xf32, #tpu.memory_space<vmem>>) target_semaphore(%run_scoped3A : memref<!tpu.dma_semaphore, #tpu.memory_space<semaphore_mem>>)
      tpu.wait_dma2 semaphore(%run_scoped3A : memref<!tpu.dma_semaphore, #tpu.memory_space<semaphore_mem>>) src(%arg2 : memref<49152xf32, #tpu.memory_space<hbm>>) dst(%arg6 : memref<49152xf32, #tpu.memory_space<vmem>>)
      tpu.yield
    }) : () -> ()
    "tpu.region"() ({
      %run_scoped3A = tpu.sem_alloc : memref<!tpu.dma_semaphore, #tpu.memory_space<semaphore_mem>>
      tpu.enqueue_dma source(%arg4 : memref<2048xi32, #tpu.memory_space<hbm>>) target(%arg7 : memref<2048xi32, #tpu.memory_space<vmem>>) target_semaphore(%run_scoped3A : memref<!tpu.dma_semaphore, #tpu.memory_space<semaphore_mem>>)
      tpu.wait_dma2 semaphore(%run_scoped3A : memref<!tpu.dma_semaphore, #tpu.memory_space<semaphore_mem>>) src(%arg4 : memref<2048xi32, #tpu.memory_space<hbm>>) dst(%arg7 : memref<2048xi32, #tpu.memory_space<vmem>>)
      tpu.yield
    }) : () -> ()
    "tpu.region"() ({
      %run_scoped3A = tpu.sem_alloc : memref<!tpu.dma_semaphore, #tpu.memory_space<semaphore_mem>>
      %dma_start3A = tpu.memref_slice %arg3[%mul3A_2] : memref<2048xi32, #tpu.memory_space<hbm>> -> memref<64xi32, #tpu.memory_space<hbm>>
      %dma_start3A_23 = tpu.memref_slice %arg3[%mul3A_2] : memref<2048xi32, #tpu.memory_space<hbm>> -> memref<64xi32, #tpu.memory_space<hbm>>
      tpu.enqueue_dma source(%dma_start3A_23 : memref<64xi32, #tpu.memory_space<hbm>>) target(%arg8 : memref<64xi32, #tpu.memory_space<vmem>>) target_semaphore(%run_scoped3A : memref<!tpu.dma_semaphore, #tpu.memory_space<semaphore_mem>>)
      %dma_wait3A_24 = tpu.memref_slice %arg3[%mul3A_2] : memref<2048xi32, #tpu.memory_space<hbm>> -> memref<64xi32, #tpu.memory_space<hbm>>
      %dma_wait3A_25 = tpu.memref_slice %arg3[%mul3A_2] : memref<2048xi32, #tpu.memory_space<hbm>> -> memref<64xi32, #tpu.memory_space<hbm>>
      tpu.wait_dma2 semaphore(%run_scoped3A : memref<!tpu.dma_semaphore, #tpu.memory_space<semaphore_mem>>) src(%dma_wait3A_25 : memref<64xi32, #tpu.memory_space<hbm>>) dst(%arg8 : memref<64xi32, #tpu.memory_space<vmem>>)
      tpu.yield
    }) : () -> ()
    %iota3A = tpu.iota {dimensions = array<i32: 0>} : vector<16xi32>
    %scan3A = arith.constant 0 : i32
    %scan3A_3 = arith.constant 0 : i32
    %scan3A_4 = arith.constant 32 : i32
    %scan3A_5 = arith.addi %scan3A_3, %scan3A_4 : i32
    %scan3A_6 = arith.constant 1 : i32
    scf.for %scan3A_23 = %scan3A_3 to %scan3A_5 step %scan3A_6  : i32 {
      %mul3A_24 = arith.constant 2 : i32
      %mul3A_25 = arith.muli %mul3A_24, %scan3A_23 : i32
      %add3A_26 = arith.addi %mul3A_2, %mul3A_25 : i32
      %gt3A = arith.constant 0 : i32
      %gt3A_27 = arith.cmpi sgt, %scan3A_23, %gt3A : i32
      %convert_element_type3A = arith.extui %gt3A_27 : i1 to i32
      %cond3A = arith.constant 0 : i32
      %cond3A_28 = arith.cmpi ne, %convert_element_type3A, %cond3A : i32
      scf.if %cond3A_28 {
        %dma_wait3A_77 = arith.constant 0 : i32
        %dma_wait3A_78 = arith.constant 0 : i32
        %dma_wait3A_79 = arith.constant 0 : i32
        %dma_wait3A_80 = tpu.memref_slice %arg5[%dma_wait3A_77, %dma_wait3A_78, %dma_wait3A_79] : memref<16x2048x2048xf32, #tpu.memory_space<hbm>> -> memref<16x1x2048xf32, #tpu.memory_space<hbm>>
        %dma_wait3A_81 = arith.constant 0 : i32
        %dma_wait3A_82 = arith.constant 0 : i32
        %dma_wait3A_83 = arith.constant 0 : i32
        %dma_wait3A_84 = tpu.memref_slice %arg5[%dma_wait3A_81, %dma_wait3A_82, %dma_wait3A_83] : memref<16x2048x2048xf32, #tpu.memory_space<hbm>> -> memref<16x1x2048xf32, #tpu.memory_space<hbm>>
        tpu.wait_dma2 semaphore(%arg11 : memref<!tpu.dma_semaphore, #tpu.memory_space<semaphore_mem>>) src(%dma_wait3A_84 : memref<16x1x2048xf32, #tpu.memory_space<hbm>>) dst(%arg9 : memref<16x1x2048xf32, #tpu.memory_space<vmem>>)
      } else {
      }
      %mul3A_29 = arith.constant 2 : i32
      %mul3A_30 = arith.muli %mul3A_29, %scan3A_23 : i32
      %broadcast_in_dim3A = vector.broadcast %mul3A_30 : i32 to vector<16xi32>
      %gather3A = tpu.vector_load_idx %arg8[%broadcast_in_dim3A] : memref<64xi32, #tpu.memory_space<vmem>>[vector<16xi32>], vector<16xi32>,
      %mul3A_31 = arith.constant 32 : i32
      %mul3A_32 = vector.broadcast %mul3A_31 : i32 to vector<16xi32>
      %mul3A_33 = arith.muli %gather3A, %mul3A_32 : vector<16xi32>
      %add3A_34 = arith.constant 2048 : i32
      %add3A_35 = vector.broadcast %add3A_34 : i32 to vector<16xi32>
      %add3A_36 = arith.addi %add3A_35, %mul3A_33 : vector<16xi32>
      %sub3A = vector.broadcast %add3A_26 : i32 to vector<16xi32>
      %sub3A_37 = arith.subi %sub3A, %iota3A : vector<16xi32>
      %parallel_loop3A = arith.constant 0 : i32
      %parallel_loop3A_38 = arith.constant 2048 : i32
      %parallel_loop3A_39 = arith.constant 16 : i32
      scf.for %parallel_loop3A_77 = %parallel_loop3A to %parallel_loop3A_38 step %parallel_loop3A_39  : i32 {
        %parallel_loop3A_78 = arith.index_cast %parallel_loop3A_77 : i32 to index
        %parallel_loop3A_79 = tpu.vector_load %arg7[%parallel_loop3A_78] {strides = array<i32>} : memref<2048xi32, #tpu.memory_space<vmem>>, vector<16xi32>,
        %parallel_loop3A_80 = vector.broadcast %parallel_loop3A_77 : i32 to vector<16xi32>
        %parallel_loop3A_81 = arith.subi %sub3A_37, %parallel_loop3A_80 : vector<16xi32>
        %parallel_loop3A_82 = arith.constant 0 : i32
        %parallel_loop3A_83 = arith.constant 2047 : i32
        %parallel_loop3A_84 = vector.broadcast %parallel_loop3A_82 : i32 to vector<16xi32>
        %parallel_loop3A_85 = arith.maxsi %parallel_loop3A_84, %parallel_loop3A_81 : vector<16xi32>
        %parallel_loop3A_86 = vector.broadcast %parallel_loop3A_83 : i32 to vector<16xi32>
        %parallel_loop3A_87 = arith.minsi %parallel_loop3A_86, %parallel_loop3A_85 : vector<16xi32>
        %parallel_loop3A_88 = arith.cmpi eq, %gather3A, %parallel_loop3A_79 : vector<16xi32>
        %parallel_loop3A_89 = arith.addi %add3A_36, %parallel_loop3A_79 : vector<16xi32>
        %parallel_loop3A_90 = arith.select %parallel_loop3A_88, %parallel_loop3A_87, %parallel_loop3A_89 : vector<16xi1>, vector<16xi32>
        %parallel_loop3A_91 = arith.constant 0 : i32
        %parallel_loop3A_92 = tpu.memref_slice %arg6[%parallel_loop3A_91] : memref<49152xf32, #tpu.memory_space<vmem>> -> memref<3072xf32, #tpu.memory_space<vmem>>
        %parallel_loop3A_93 = tpu.vector_load_idx %parallel_loop3A_92[%parallel_loop3A_90] : memref<3072xf32, #tpu.memory_space<vmem>>[vector<16xi32>], vector<16xf32>,
        %parallel_loop3A_94 = arith.constant 0 : i32
        %parallel_loop3A_95 = arith.constant 0 : i32
        %parallel_loop3A_96 = arith.index_cast %parallel_loop3A_94 : i32 to index
        %parallel_loop3A_97 = arith.index_cast %parallel_loop3A_95 : i32 to index
        %parallel_loop3A_98 = arith.index_cast %parallel_loop3A_77 : i32 to index
        %parallel_loop3A_99 = tpu.vector_load %arg9[%parallel_loop3A_96, %parallel_loop3A_97, %parallel_loop3A_98] {strides = array<i32>} : memref<16x1x2048xf32, #tpu.memory_space<vmem>>, vector<16xf32>,
        tpu.vector_store %arg9[%parallel_loop3A_96, %parallel_loop3A_97, %parallel_loop3A_98], %parallel_loop3A_93 {strides = array<i32>} : memref<16x1x2048xf32, #tpu.memory_space<vmem>>, vector<16xf32>,
        %parallel_loop3A_100 = arith.constant 3072 : i32
        %parallel_loop3A_101 = tpu.memref_slice %arg6[%parallel_loop3A_100] : memref<49152xf32, #tpu.memory_space<vmem>> -> memref<3072xf32, #tpu.memory_space<vmem>>
        %parallel_loop3A_102 = tpu.vector_load_idx %parallel_loop3A_101[%parallel_loop3A_90] : memref<3072xf32, #tpu.memory_space<vmem>>[vector<16xi32>], vector<16xf32>,
        %parallel_loop3A_103 = arith.constant 1 : i32
        %parallel_loop3A_104 = arith.constant 0 : i32
        %parallel_loop3A_105 = arith.index_cast %parallel_loop3A_103 : i32 to index
        %parallel_loop3A_106 = arith.index_cast %parallel_loop3A_104 : i32 to index
        %parallel_loop3A_107 = arith.index_cast %parallel_loop3A_77 : i32 to index
        %parallel_loop3A_108 = tpu.vector_load %arg9[%parallel_loop3A_105, %parallel_loop3A_106, %parallel_loop3A_107] {strides = array<i32>} : memref<16x1x2048xf32, #tpu.memory_space<vmem>>, vector<16xf32>,
        tpu.vector_store %arg9[%parallel_loop3A_105, %parallel_loop3A_106, %parallel_loop3A_107], %parallel_loop3A_102 {strides = array<i32>} : memref<16x1x2048xf32, #tpu.memory_space<vmem>>, vector<16xf32>,
        %parallel_loop3A_109 = arith.constant 6144 : i32
        %parallel_loop3A_110 = tpu.memref_slice %arg6[%parallel_loop3A_109] : memref<49152xf32, #tpu.memory_space<vmem>> -> memref<3072xf32, #tpu.memory_space<vmem>>
        %parallel_loop3A_111 = tpu.vector_load_idx %parallel_loop3A_110[%parallel_loop3A_90] : memref<3072xf32, #tpu.memory_space<vmem>>[vector<16xi32>], vector<16xf32>,
        %parallel_loop3A_112 = arith.constant 2 : i32
        %parallel_loop3A_113 = arith.constant 0 : i32
        %parallel_loop3A_114 = arith.index_cast %parallel_loop3A_112 : i32 to index
        %parallel_loop3A_115 = arith.index_cast %parallel_loop3A_113 : i32 to index
        %parallel_loop3A_116 = arith.index_cast %parallel_loop3A_77 : i32 to index
        %parallel_loop3A_117 = tpu.vector_load %arg9[%parallel_loop3A_114, %parallel_loop3A_115, %parallel_loop3A_116] {strides = array<i32>} : memref<16x1x2048xf32, #tpu.memory_space<vmem>>, vector<16xf32>,
        tpu.vector_store %arg9[%parallel_loop3A_114, %parallel_loop3A_115, %parallel_loop3A_116], %parallel_loop3A_111 {strides = array<i32>} : memref<16x1x2048xf32, #tpu.memory_space<vmem>>, vector<16xf32>,
        %parallel_loop3A_118 = arith.constant 9216 : i32
        %parallel_loop3A_119 = tpu.memref_slice %arg6[%parallel_loop3A_118] : memref<49152xf32, #tpu.memory_space<vmem>> -> memref<3072xf32, #tpu.memory_space<vmem>>
        %parallel_loop3A_120 = tpu.vector_load_idx %parallel_loop3A_119[%parallel_loop3A_90] : memref<3072xf32, #tpu.memory_space<vmem>>[vector<16xi32>], vector<16xf32>,
        %parallel_loop3A_121 = arith.constant 3 : i32
        %parallel_loop3A_122 = arith.constant 0 : i32
        %parallel_loop3A_123 = arith.index_cast %parallel_loop3A_121 : i32 to index
        %parallel_loop3A_124 = arith.index_cast %parallel_loop3A_122 : i32 to index
        %parallel_loop3A_125 = arith.index_cast %parallel_loop3A_77 : i32 to index
        %parallel_loop3A_126 = tpu.vector_load %arg9[%parallel_loop3A_123, %parallel_loop3A_124, %parallel_loop3A_125] {strides = array<i32>} : memref<16x1x2048xf32, #tpu.memory_space<vmem>>, vector<16xf32>,
        tpu.vector_store %arg9[%parallel_loop3A_123, %parallel_loop3A_124, %parallel_loop3A_125], %parallel_loop3A_120 {strides = array<i32>} : memref<16x1x2048xf32, #tpu.memory_space<vmem>>, vector<16xf32>,
        %parallel_loop3A_127 = arith.constant 12288 : i32
        %parallel_loop3A_128 = tpu.memref_slice %arg6[%parallel_loop3A_127] : memref<49152xf32, #tpu.memory_space<vmem>> -> memref<3072xf32, #tpu.memory_space<vmem>>
        %parallel_loop3A_129 = tpu.vector_load_idx %parallel_loop3A_128[%parallel_loop3A_90] : memref<3072xf32, #tpu.memory_space<vmem>>[vector<16xi32>], vector<16xf32>,
        %parallel_loop3A_130 = arith.constant 4 : i32
        %parallel_loop3A_131 = arith.constant 0 : i32
        %parallel_loop3A_132 = arith.index_cast %parallel_loop3A_130 : i32 to index
        %parallel_loop3A_133 = arith.index_cast %parallel_loop3A_131 : i32 to index
        %parallel_loop3A_134 = arith.index_cast %parallel_loop3A_77 : i32 to index
        %parallel_loop3A_135 = tpu.vector_load %arg9[%parallel_loop3A_132, %parallel_loop3A_133, %parallel_loop3A_134] {strides = array<i32>} : memref<16x1x2048xf32, #tpu.memory_space<vmem>>, vector<16xf32>,
        tpu.vector_store %arg9[%parallel_loop3A_132, %parallel_loop3A_133, %parallel_loop3A_134], %parallel_loop3A_129 {strides = array<i32>} : memref<16x1x2048xf32, #tpu.memory_space<vmem>>, vector<16xf32>,
        %parallel_loop3A_136 = arith.constant 15360 : i32
        %parallel_loop3A_137 = tpu.memref_slice %arg6[%parallel_loop3A_136] : memref<49152xf32, #tpu.memory_space<vmem>> -> memref<3072xf32, #tpu.memory_space<vmem>>
        %parallel_loop3A_138 = tpu.vector_load_idx %parallel_loop3A_137[%parallel_loop3A_90] : memref<3072xf32, #tpu.memory_space<vmem>>[vector<16xi32>], vector<16xf32>,
        %parallel_loop3A_139 = arith.constant 5 : i32
        %parallel_loop3A_140 = arith.constant 0 : i32
        %parallel_loop3A_141 = arith.index_cast %parallel_loop3A_139 : i32 to index
        %parallel_loop3A_142 = arith.index_cast %parallel_loop3A_140 : i32 to index
        %parallel_loop3A_143 = arith.index_cast %parallel_loop3A_77 : i32 to index
        %parallel_loop3A_144 = tpu.vector_load %arg9[%parallel_loop3A_141, %parallel_loop3A_142, %parallel_loop3A_143] {strides = array<i32>} : memref<16x1x2048xf32, #tpu.memory_space<vmem>>, vector<16xf32>,
        tpu.vector_store %arg9[%parallel_loop3A_141, %parallel_loop3A_142, %parallel_loop3A_143], %parallel_loop3A_138 {strides = array<i32>} : memref<16x1x2048xf32, #tpu.memory_space<vmem>>, vector<16xf32>,
        %parallel_loop3A_145 = arith.constant 18432 : i32
        %parallel_loop3A_146 = tpu.memref_slice %arg6[%parallel_loop3A_145] : memref<49152xf32, #tpu.memory_space<vmem>> -> memref<3072xf32, #tpu.memory_space<vmem>>
        %parallel_loop3A_147 = tpu.vector_load_idx %parallel_loop3A_146[%parallel_loop3A_90] : memref<3072xf32, #tpu.memory_space<vmem>>[vector<16xi32>], vector<16xf32>,
        %parallel_loop3A_148 = arith.constant 6 : i32
        %parallel_loop3A_149 = arith.constant 0 : i32
        %parallel_loop3A_150 = arith.index_cast %parallel_loop3A_148 : i32 to index
        %parallel_loop3A_151 = arith.index_cast %parallel_loop3A_149 : i32 to index
        %parallel_loop3A_152 = arith.index_cast %parallel_loop3A_77 : i32 to index
        %parallel_loop3A_153 = tpu.vector_load %arg9[%parallel_loop3A_150, %parallel_loop3A_151, %parallel_loop3A_152] {strides = array<i32>} : memref<16x1x2048xf32, #tpu.memory_space<vmem>>, vector<16xf32>,
        tpu.vector_store %arg9[%parallel_loop3A_150, %parallel_loop3A_151, %parallel_loop3A_152], %parallel_loop3A_147 {strides = array<i32>} : memref<16x1x2048xf32, #tpu.memory_space<vmem>>, vector<16xf32>,
        %parallel_loop3A_154 = arith.constant 21504 : i32
        %parallel_loop3A_155 = tpu.memref_slice %arg6[%parallel_loop3A_154] : memref<49152xf32, #tpu.memory_space<vmem>> -> memref<3072xf32, #tpu.memory_space<vmem>>
        %parallel_loop3A_156 = tpu.vector_load_idx %parallel_loop3A_155[%parallel_loop3A_90] : memref<3072xf32, #tpu.memory_space<vmem>>[vector<16xi32>], vector<16xf32>,
        %parallel_loop3A_157 = arith.constant 7 : i32
        %parallel_loop3A_158 = arith.constant 0 : i32
        %parallel_loop3A_159 = arith.index_cast %parallel_loop3A_157 : i32 to index
        %parallel_loop3A_160 = arith.index_cast %parallel_loop3A_158 : i32 to index
        %parallel_loop3A_161 = arith.index_cast %parallel_loop3A_77 : i32 to index
        %parallel_loop3A_162 = tpu.vector_load %arg9[%parallel_loop3A_159, %parallel_loop3A_160, %parallel_loop3A_161] {strides = array<i32>} : memref<16x1x2048xf32, #tpu.memory_space<vmem>>, vector<16xf32>,
        tpu.vector_store %arg9[%parallel_loop3A_159, %parallel_loop3A_160, %parallel_loop3A_161], %parallel_loop3A_156 {strides = array<i32>} : memref<16x1x2048xf32, #tpu.memory_space<vmem>>, vector<16xf32>,
        %parallel_loop3A_163 = arith.constant 24576 : i32
        %parallel_loop3A_164 = tpu.memref_slice %arg6[%parallel_loop3A_163] : memref<49152xf32, #tpu.memory_space<vmem>> -> memref<3072xf32, #tpu.memory_space<vmem>>
        %parallel_loop3A_165 = tpu.vector_load_idx %parallel_loop3A_164[%parallel_loop3A_90] : memref<3072xf32, #tpu.memory_space<vmem>>[vector<16xi32>], vector<16xf32>,
        %parallel_loop3A_166 = arith.constant 8 : i32
        %parallel_loop3A_167 = arith.constant 0 : i32
        %parallel_loop3A_168 = arith.index_cast %parallel_loop3A_166 : i32 to index
        %parallel_loop3A_169 = arith.index_cast %parallel_loop3A_167 : i32 to index
        %parallel_loop3A_170 = arith.index_cast %parallel_loop3A_77 : i32 to index
        %parallel_loop3A_171 = tpu.vector_load %arg9[%parallel_loop3A_168, %parallel_loop3A_169, %parallel_loop3A_170] {strides = array<i32>} : memref<16x1x2048xf32, #tpu.memory_space<vmem>>, vector<16xf32>,
        tpu.vector_store %arg9[%parallel_loop3A_168, %parallel_loop3A_169, %parallel_loop3A_170], %parallel_loop3A_165 {strides = array<i32>} : memref<16x1x2048xf32, #tpu.memory_space<vmem>>, vector<16xf32>,
        %parallel_loop3A_172 = arith.constant 27648 : i32
        %parallel_loop3A_173 = tpu.memref_slice %arg6[%parallel_loop3A_172] : memref<49152xf32, #tpu.memory_space<vmem>> -> memref<3072xf32, #tpu.memory_space<vmem>>
        %parallel_loop3A_174 = tpu.vector_load_idx %parallel_loop3A_173[%parallel_loop3A_90] : memref<3072xf32, #tpu.memory_space<vmem>>[vector<16xi32>], vector<16xf32>,
        %parallel_loop3A_175 = arith.constant 9 : i32
        %parallel_loop3A_176 = arith.constant 0 : i32
        %parallel_loop3A_177 = arith.index_cast %parallel_loop3A_175 : i32 to index
        %parallel_loop3A_178 = arith.index_cast %parallel_loop3A_176 : i32 to index
        %parallel_loop3A_179 = arith.index_cast %parallel_loop3A_77 : i32 to index
        %parallel_loop3A_180 = tpu.vector_load %arg9[%parallel_loop3A_177, %parallel_loop3A_178, %parallel_loop3A_179] {strides = array<i32>} : memref<16x1x2048xf32, #tpu.memory_space<vmem>>, vector<16xf32>,
        tpu.vector_store %arg9[%parallel_loop3A_177, %parallel_loop3A_178, %parallel_loop3A_179], %parallel_loop3A_174 {strides = array<i32>} : memref<16x1x2048xf32, #tpu.memory_space<vmem>>, vector<16xf32>,
        %parallel_loop3A_181 = arith.constant 30720 : i32
        %parallel_loop3A_182 = tpu.memref_slice %arg6[%parallel_loop3A_181] : memref<49152xf32, #tpu.memory_space<vmem>> -> memref<3072xf32, #tpu.memory_space<vmem>>
        %parallel_loop3A_183 = tpu.vector_load_idx %parallel_loop3A_182[%parallel_loop3A_90] : memref<3072xf32, #tpu.memory_space<vmem>>[vector<16xi32>], vector<16xf32>,
        %parallel_loop3A_184 = arith.constant 10 : i32
        %parallel_loop3A_185 = arith.constant 0 : i32
        %parallel_loop3A_186 = arith.index_cast %parallel_loop3A_184 : i32 to index
        %parallel_loop3A_187 = arith.index_cast %parallel_loop3A_185 : i32 to index
        %parallel_loop3A_188 = arith.index_cast %parallel_loop3A_77 : i32 to index
        %parallel_loop3A_189 = tpu.vector_load %arg9[%parallel_loop3A_186, %parallel_loop3A_187, %parallel_loop3A_188] {strides = array<i32>} : memref<16x1x2048xf32, #tpu.memory_space<vmem>>, vector<16xf32>,
        tpu.vector_store %arg9[%parallel_loop3A_186, %parallel_loop3A_187, %parallel_loop3A_188], %parallel_loop3A_183 {strides = array<i32>} : memref<16x1x2048xf32, #tpu.memory_space<vmem>>, vector<16xf32>,
        %parallel_loop3A_190 = arith.constant 33792 : i32
        %parallel_loop3A_191 = tpu.memref_slice %arg6[%parallel_loop3A_190] : memref<49152xf32, #tpu.memory_space<vmem>> -> memref<3072xf32, #tpu.memory_space<vmem>>
        %parallel_loop3A_192 = tpu.vector_load_idx %parallel_loop3A_191[%parallel_loop3A_90] : memref<3072xf32, #tpu.memory_space<vmem>>[vector<16xi32>], vector<16xf32>,
        %parallel_loop3A_193 = arith.constant 11 : i32
        %parallel_loop3A_194 = arith.constant 0 : i32
        %parallel_loop3A_195 = arith.index_cast %parallel_loop3A_193 : i32 to index
        %parallel_loop3A_196 = arith.index_cast %parallel_loop3A_194 : i32 to index
        %parallel_loop3A_197 = arith.index_cast %parallel_loop3A_77 : i32 to index
        %parallel_loop3A_198 = tpu.vector_load %arg9[%parallel_loop3A_195, %parallel_loop3A_196, %parallel_loop3A_197] {strides = array<i32>} : memref<16x1x2048xf32, #tpu.memory_space<vmem>>, vector<16xf32>,
        tpu.vector_store %arg9[%parallel_loop3A_195, %parallel_loop3A_196, %parallel_loop3A_197], %parallel_loop3A_192 {strides = array<i32>} : memref<16x1x2048xf32, #tpu.memory_space<vmem>>, vector<16xf32>,
        %parallel_loop3A_199 = arith.constant 36864 : i32
        %parallel_loop3A_200 = tpu.memref_slice %arg6[%parallel_loop3A_199] : memref<49152xf32, #tpu.memory_space<vmem>> -> memref<3072xf32, #tpu.memory_space<vmem>>
        %parallel_loop3A_201 = tpu.vector_load_idx %parallel_loop3A_200[%parallel_loop3A_90] : memref<3072xf32, #tpu.memory_space<vmem>>[vector<16xi32>], vector<16xf32>,
        %parallel_loop3A_202 = arith.constant 12 : i32
        %parallel_loop3A_203 = arith.constant 0 : i32
        %parallel_loop3A_204 = arith.index_cast %parallel_loop3A_202 : i32 to index
        %parallel_loop3A_205 = arith.index_cast %parallel_loop3A_203 : i32 to index
        %parallel_loop3A_206 = arith.index_cast %parallel_loop3A_77 : i32 to index
        %parallel_loop3A_207 = tpu.vector_load %arg9[%parallel_loop3A_204, %parallel_loop3A_205, %parallel_loop3A_206] {strides = array<i32>} : memref<16x1x2048xf32, #tpu.memory_space<vmem>>, vector<16xf32>,
        tpu.vector_store %arg9[%parallel_loop3A_204, %parallel_loop3A_205, %parallel_loop3A_206], %parallel_loop3A_201 {strides = array<i32>} : memref<16x1x2048xf32, #tpu.memory_space<vmem>>, vector<16xf32>,
        %parallel_loop3A_208 = arith.constant 39936 : i32
        %parallel_loop3A_209 = tpu.memref_slice %arg6[%parallel_loop3A_208] : memref<49152xf32, #tpu.memory_space<vmem>> -> memref<3072xf32, #tpu.memory_space<vmem>>
        %parallel_loop3A_210 = tpu.vector_load_idx %parallel_loop3A_209[%parallel_loop3A_90] : memref<3072xf32, #tpu.memory_space<vmem>>[vector<16xi32>], vector<16xf32>,
        %parallel_loop3A_211 = arith.constant 13 : i32
        %parallel_loop3A_212 = arith.constant 0 : i32
        %parallel_loop3A_213 = arith.index_cast %parallel_loop3A_211 : i32 to index
        %parallel_loop3A_214 = arith.index_cast %parallel_loop3A_212 : i32 to index
        %parallel_loop3A_215 = arith.index_cast %parallel_loop3A_77 : i32 to index
        %parallel_loop3A_216 = tpu.vector_load %arg9[%parallel_loop3A_213, %parallel_loop3A_214, %parallel_loop3A_215] {strides = array<i32>} : memref<16x1x2048xf32, #tpu.memory_space<vmem>>, vector<16xf32>,
        tpu.vector_store %arg9[%parallel_loop3A_213, %parallel_loop3A_214, %parallel_loop3A_215], %parallel_loop3A_210 {strides = array<i32>} : memref<16x1x2048xf32, #tpu.memory_space<vmem>>, vector<16xf32>,
        %parallel_loop3A_217 = arith.constant 43008 : i32
        %parallel_loop3A_218 = tpu.memref_slice %arg6[%parallel_loop3A_217] : memref<49152xf32, #tpu.memory_space<vmem>> -> memref<3072xf32, #tpu.memory_space<vmem>>
        %parallel_loop3A_219 = tpu.vector_load_idx %parallel_loop3A_218[%parallel_loop3A_90] : memref<3072xf32, #tpu.memory_space<vmem>>[vector<16xi32>], vector<16xf32>,
        %parallel_loop3A_220 = arith.constant 14 : i32
        %parallel_loop3A_221 = arith.constant 0 : i32
        %parallel_loop3A_222 = arith.index_cast %parallel_loop3A_220 : i32 to index
        %parallel_loop3A_223 = arith.index_cast %parallel_loop3A_221 : i32 to index
        %parallel_loop3A_224 = arith.index_cast %parallel_loop3A_77 : i32 to index
        %parallel_loop3A_225 = tpu.vector_load %arg9[%parallel_loop3A_222, %parallel_loop3A_223, %parallel_loop3A_224] {strides = array<i32>} : memref<16x1x2048xf32, #tpu.memory_space<vmem>>, vector<16xf32>,
        tpu.vector_store %arg9[%parallel_loop3A_222, %parallel_loop3A_223, %parallel_loop3A_224], %parallel_loop3A_219 {strides = array<i32>} : memref<16x1x2048xf32, #tpu.memory_space<vmem>>, vector<16xf32>,
        %parallel_loop3A_226 = arith.constant 46080 : i32
        %parallel_loop3A_227 = tpu.memref_slice %arg6[%parallel_loop3A_226] : memref<49152xf32, #tpu.memory_space<vmem>> -> memref<3072xf32, #tpu.memory_space<vmem>>
        %parallel_loop3A_228 = tpu.vector_load_idx %parallel_loop3A_227[%parallel_loop3A_90] : memref<3072xf32, #tpu.memory_space<vmem>>[vector<16xi32>], vector<16xf32>,
        %parallel_loop3A_229 = arith.constant 15 : i32
        %parallel_loop3A_230 = arith.constant 0 : i32
        %parallel_loop3A_231 = arith.index_cast %parallel_loop3A_229 : i32 to index
        %parallel_loop3A_232 = arith.index_cast %parallel_loop3A_230 : i32 to index
        %parallel_loop3A_233 = arith.index_cast %parallel_loop3A_77 : i32 to index
        %parallel_loop3A_234 = tpu.vector_load %arg9[%parallel_loop3A_231, %parallel_loop3A_232, %parallel_loop3A_233] {strides = array<i32>} : memref<16x1x2048xf32, #tpu.memory_space<vmem>>, vector<16xf32>,
        tpu.vector_store %arg9[%parallel_loop3A_231, %parallel_loop3A_232, %parallel_loop3A_233], %parallel_loop3A_228 {strides = array<i32>} : memref<16x1x2048xf32, #tpu.memory_space<vmem>>, vector<16xf32>,
      } {sc.loop_unroll_factor = 4 : i64, sc.parallel_access}
      %dma_start3A = arith.constant 0 : i32
      %dma_start3A_40 = arith.constant 0 : i32
      %dma_start3A_41 = tpu.memref_slice %arg5[%dma_start3A, %add3A_26, %dma_start3A_40] : memref<16x2048x2048xf32, #tpu.memory_space<hbm>> -> memref<16x1x2048xf32, #tpu.memory_space<hbm>>
      %dma_start3A_42 = arith.constant 0 : i32
      %dma_start3A_43 = arith.constant 0 : i32
      %dma_start3A_44 = tpu.memref_slice %arg5[%dma_start3A_42, %add3A_26, %dma_start3A_43] : memref<16x2048x2048xf32, #tpu.memory_space<hbm>> -> memref<16x1x2048xf32, #tpu.memory_space<hbm>>
      tpu.enqueue_dma source(%arg9 : memref<16x1x2048xf32, #tpu.memory_space<vmem>>) target(%dma_start3A_44 : memref<16x1x2048xf32, #tpu.memory_space<hbm>>) target_semaphore(%arg11 : memref<!tpu.dma_semaphore, #tpu.memory_space<semaphore_mem>>)
      %gt3A_45 = arith.constant 0 : i32
      %gt3A_46 = arith.cmpi sgt, %scan3A_23, %gt3A_45 : i32
      %convert_element_type3A_47 = arith.extui %gt3A_46 : i1 to i32
      %cond3A_48 = arith.constant 0 : i32
      %cond3A_49 = arith.cmpi ne, %convert_element_type3A_47, %cond3A_48 : i32
      scf.if %cond3A_49 {
        %dma_wait3A_77 = arith.constant 0 : i32
        %dma_wait3A_78 = arith.constant 0 : i32
        %dma_wait3A_79 = arith.constant 0 : i32
        %dma_wait3A_80 = tpu.memref_slice %arg5[%dma_wait3A_77, %dma_wait3A_78, %dma_wait3A_79] : memref<16x2048x2048xf32, #tpu.memory_space<hbm>> -> memref<16x1x2048xf32, #tpu.memory_space<hbm>>
        %dma_wait3A_81 = arith.constant 0 : i32
        %dma_wait3A_82 = arith.constant 0 : i32
        %dma_wait3A_83 = arith.constant 0 : i32
        %dma_wait3A_84 = tpu.memref_slice %arg5[%dma_wait3A_81, %dma_wait3A_82, %dma_wait3A_83] : memref<16x2048x2048xf32, #tpu.memory_space<hbm>> -> memref<16x1x2048xf32, #tpu.memory_space<hbm>>
        tpu.wait_dma2 semaphore(%arg12 : memref<!tpu.dma_semaphore, #tpu.memory_space<semaphore_mem>>) src(%dma_wait3A_84 : memref<16x1x2048xf32, #tpu.memory_space<hbm>>) dst(%arg10 : memref<16x1x2048xf32, #tpu.memory_space<vmem>>)
      } else {
      }
      %add3A_50 = arith.constant 1 : i32
      %add3A_51 = arith.addi %add3A_26, %add3A_50 : i32
      %mul3A_52 = arith.constant 2 : i32
      %mul3A_53 = arith.muli %mul3A_52, %scan3A_23 : i32
      %add3A_54 = arith.constant 1 : i32
      %add3A_55 = arith.addi %mul3A_53, %add3A_54 : i32
      %broadcast_in_dim3A_56 = vector.broadcast %add3A_55 : i32 to vector<16xi32>
      %gather3A_57 = tpu.vector_load_idx %arg8[%broadcast_in_dim3A_56] : memref<64xi32, #tpu.memory_space<vmem>>[vector<16xi32>], vector<16xi32>,
      %mul3A_58 = arith.constant 32 : i32
      %mul3A_59 = vector.broadcast %mul3A_58 : i32 to vector<16xi32>
      %mul3A_60 = arith.muli %gather3A_57, %mul3A_59 : vector<16xi32>
      %add3A_61 = arith.constant 2048 : i32
      %add3A_62 = vector.broadcast %add3A_61 : i32 to vector<16xi32>
      %add3A_63 = arith.addi %add3A_62, %mul3A_60 : vector<16xi32>
      %sub3A_64 = vector.broadcast %add3A_51 : i32 to vector<16xi32>
      %sub3A_65 = arith.subi %sub3A_64, %iota3A : vector<16xi32>
      %parallel_loop3A_66 = arith.constant 0 : i32
      %parallel_loop3A_67 = arith.constant 2048 : i32
      %parallel_loop3A_68 = arith.constant 16 : i32
      scf.for %parallel_loop3A_77 = %parallel_loop3A_66 to %parallel_loop3A_67 step %parallel_loop3A_68  : i32 {
        %parallel_loop3A_78 = arith.index_cast %parallel_loop3A_77 : i32 to index
        %parallel_loop3A_79 = tpu.vector_load %arg7[%parallel_loop3A_78] {strides = array<i32>} : memref<2048xi32, #tpu.memory_space<vmem>>, vector<16xi32>,
        %parallel_loop3A_80 = vector.broadcast %parallel_loop3A_77 : i32 to vector<16xi32>
        %parallel_loop3A_81 = arith.subi %sub3A_65, %parallel_loop3A_80 : vector<16xi32>
        %parallel_loop3A_82 = arith.constant 0 : i32
        %parallel_loop3A_83 = arith.constant 2047 : i32
        %parallel_loop3A_84 = vector.broadcast %parallel_loop3A_82 : i32 to vector<16xi32>
        %parallel_loop3A_85 = arith.maxsi %parallel_loop3A_84, %parallel_loop3A_81 : vector<16xi32>
        %parallel_loop3A_86 = vector.broadcast %parallel_loop3A_83 : i32 to vector<16xi32>
        %parallel_loop3A_87 = arith.minsi %parallel_loop3A_86, %parallel_loop3A_85 : vector<16xi32>
        %parallel_loop3A_88 = arith.cmpi eq, %gather3A_57, %parallel_loop3A_79 : vector<16xi32>
        %parallel_loop3A_89 = arith.addi %add3A_63, %parallel_loop3A_79 : vector<16xi32>
        %parallel_loop3A_90 = arith.select %parallel_loop3A_88, %parallel_loop3A_87, %parallel_loop3A_89 : vector<16xi1>, vector<16xi32>
        %parallel_loop3A_91 = arith.constant 0 : i32
        %parallel_loop3A_92 = tpu.memref_slice %arg6[%parallel_loop3A_91] : memref<49152xf32, #tpu.memory_space<vmem>> -> memref<3072xf32, #tpu.memory_space<vmem>>
        %parallel_loop3A_93 = tpu.vector_load_idx %parallel_loop3A_92[%parallel_loop3A_90] : memref<3072xf32, #tpu.memory_space<vmem>>[vector<16xi32>], vector<16xf32>,
        %parallel_loop3A_94 = arith.constant 0 : i32
        %parallel_loop3A_95 = arith.constant 0 : i32
        %parallel_loop3A_96 = arith.index_cast %parallel_loop3A_94 : i32 to index
        %parallel_loop3A_97 = arith.index_cast %parallel_loop3A_95 : i32 to index
        %parallel_loop3A_98 = arith.index_cast %parallel_loop3A_77 : i32 to index
        %parallel_loop3A_99 = tpu.vector_load %arg10[%parallel_loop3A_96, %parallel_loop3A_97, %parallel_loop3A_98] {strides = array<i32>} : memref<16x1x2048xf32, #tpu.memory_space<vmem>>, vector<16xf32>,
        tpu.vector_store %arg10[%parallel_loop3A_96, %parallel_loop3A_97, %parallel_loop3A_98], %parallel_loop3A_93 {strides = array<i32>} : memref<16x1x2048xf32, #tpu.memory_space<vmem>>, vector<16xf32>,
        %parallel_loop3A_100 = arith.constant 3072 : i32
        %parallel_loop3A_101 = tpu.memref_slice %arg6[%parallel_loop3A_100] : memref<49152xf32, #tpu.memory_space<vmem>> -> memref<3072xf32, #tpu.memory_space<vmem>>
        %parallel_loop3A_102 = tpu.vector_load_idx %parallel_loop3A_101[%parallel_loop3A_90] : memref<3072xf32, #tpu.memory_space<vmem>>[vector<16xi32>], vector<16xf32>,
        %parallel_loop3A_103 = arith.constant 1 : i32
        %parallel_loop3A_104 = arith.constant 0 : i32
        %parallel_loop3A_105 = arith.index_cast %parallel_loop3A_103 : i32 to index
        %parallel_loop3A_106 = arith.index_cast %parallel_loop3A_104 : i32 to index
        %parallel_loop3A_107 = arith.index_cast %parallel_loop3A_77 : i32 to index
        %parallel_loop3A_108 = tpu.vector_load %arg10[%parallel_loop3A_105, %parallel_loop3A_106, %parallel_loop3A_107] {strides = array<i32>} : memref<16x1x2048xf32, #tpu.memory_space<vmem>>, vector<16xf32>,
        tpu.vector_store %arg10[%parallel_loop3A_105, %parallel_loop3A_106, %parallel_loop3A_107], %parallel_loop3A_102 {strides = array<i32>} : memref<16x1x2048xf32, #tpu.memory_space<vmem>>, vector<16xf32>,
        %parallel_loop3A_109 = arith.constant 6144 : i32
        %parallel_loop3A_110 = tpu.memref_slice %arg6[%parallel_loop3A_109] : memref<49152xf32, #tpu.memory_space<vmem>> -> memref<3072xf32, #tpu.memory_space<vmem>>
        %parallel_loop3A_111 = tpu.vector_load_idx %parallel_loop3A_110[%parallel_loop3A_90] : memref<3072xf32, #tpu.memory_space<vmem>>[vector<16xi32>], vector<16xf32>,
        %parallel_loop3A_112 = arith.constant 2 : i32
        %parallel_loop3A_113 = arith.constant 0 : i32
        %parallel_loop3A_114 = arith.index_cast %parallel_loop3A_112 : i32 to index
        %parallel_loop3A_115 = arith.index_cast %parallel_loop3A_113 : i32 to index
        %parallel_loop3A_116 = arith.index_cast %parallel_loop3A_77 : i32 to index
        %parallel_loop3A_117 = tpu.vector_load %arg10[%parallel_loop3A_114, %parallel_loop3A_115, %parallel_loop3A_116] {strides = array<i32>} : memref<16x1x2048xf32, #tpu.memory_space<vmem>>, vector<16xf32>,
        tpu.vector_store %arg10[%parallel_loop3A_114, %parallel_loop3A_115, %parallel_loop3A_116], %parallel_loop3A_111 {strides = array<i32>} : memref<16x1x2048xf32, #tpu.memory_space<vmem>>, vector<16xf32>,
        %parallel_loop3A_118 = arith.constant 9216 : i32
        %parallel_loop3A_119 = tpu.memref_slice %arg6[%parallel_loop3A_118] : memref<49152xf32, #tpu.memory_space<vmem>> -> memref<3072xf32, #tpu.memory_space<vmem>>
        %parallel_loop3A_120 = tpu.vector_load_idx %parallel_loop3A_119[%parallel_loop3A_90] : memref<3072xf32, #tpu.memory_space<vmem>>[vector<16xi32>], vector<16xf32>,
        %parallel_loop3A_121 = arith.constant 3 : i32
        %parallel_loop3A_122 = arith.constant 0 : i32
        %parallel_loop3A_123 = arith.index_cast %parallel_loop3A_121 : i32 to index
        %parallel_loop3A_124 = arith.index_cast %parallel_loop3A_122 : i32 to index
        %parallel_loop3A_125 = arith.index_cast %parallel_loop3A_77 : i32 to index
        %parallel_loop3A_126 = tpu.vector_load %arg10[%parallel_loop3A_123, %parallel_loop3A_124, %parallel_loop3A_125] {strides = array<i32>} : memref<16x1x2048xf32, #tpu.memory_space<vmem>>, vector<16xf32>,
        tpu.vector_store %arg10[%parallel_loop3A_123, %parallel_loop3A_124, %parallel_loop3A_125], %parallel_loop3A_120 {strides = array<i32>} : memref<16x1x2048xf32, #tpu.memory_space<vmem>>, vector<16xf32>,
        %parallel_loop3A_127 = arith.constant 12288 : i32
        %parallel_loop3A_128 = tpu.memref_slice %arg6[%parallel_loop3A_127] : memref<49152xf32, #tpu.memory_space<vmem>> -> memref<3072xf32, #tpu.memory_space<vmem>>
        %parallel_loop3A_129 = tpu.vector_load_idx %parallel_loop3A_128[%parallel_loop3A_90] : memref<3072xf32, #tpu.memory_space<vmem>>[vector<16xi32>], vector<16xf32>,
        %parallel_loop3A_130 = arith.constant 4 : i32
        %parallel_loop3A_131 = arith.constant 0 : i32
        %parallel_loop3A_132 = arith.index_cast %parallel_loop3A_130 : i32 to index
        %parallel_loop3A_133 = arith.index_cast %parallel_loop3A_131 : i32 to index
        %parallel_loop3A_134 = arith.index_cast %parallel_loop3A_77 : i32 to index
        %parallel_loop3A_135 = tpu.vector_load %arg10[%parallel_loop3A_132, %parallel_loop3A_133, %parallel_loop3A_134] {strides = array<i32>} : memref<16x1x2048xf32, #tpu.memory_space<vmem>>, vector<16xf32>,
        tpu.vector_store %arg10[%parallel_loop3A_132, %parallel_loop3A_133, %parallel_loop3A_134], %parallel_loop3A_129 {strides = array<i32>} : memref<16x1x2048xf32, #tpu.memory_space<vmem>>, vector<16xf32>,
        %parallel_loop3A_136 = arith.constant 15360 : i32
        %parallel_loop3A_137 = tpu.memref_slice %arg6[%parallel_loop3A_136] : memref<49152xf32, #tpu.memory_space<vmem>> -> memref<3072xf32, #tpu.memory_space<vmem>>
        %parallel_loop3A_138 = tpu.vector_load_idx %parallel_loop3A_137[%parallel_loop3A_90] : memref<3072xf32, #tpu.memory_space<vmem>>[vector<16xi32>], vector<16xf32>,
        %parallel_loop3A_139 = arith.constant 5 : i32
        %parallel_loop3A_140 = arith.constant 0 : i32
        %parallel_loop3A_141 = arith.index_cast %parallel_loop3A_139 : i32 to index
        %parallel_loop3A_142 = arith.index_cast %parallel_loop3A_140 : i32 to index
        %parallel_loop3A_143 = arith.index_cast %parallel_loop3A_77 : i32 to index
        %parallel_loop3A_144 = tpu.vector_load %arg10[%parallel_loop3A_141, %parallel_loop3A_142, %parallel_loop3A_143] {strides = array<i32>} : memref<16x1x2048xf32, #tpu.memory_space<vmem>>, vector<16xf32>,
        tpu.vector_store %arg10[%parallel_loop3A_141, %parallel_loop3A_142, %parallel_loop3A_143], %parallel_loop3A_138 {strides = array<i32>} : memref<16x1x2048xf32, #tpu.memory_space<vmem>>, vector<16xf32>,
        %parallel_loop3A_145 = arith.constant 18432 : i32
        %parallel_loop3A_146 = tpu.memref_slice %arg6[%parallel_loop3A_145] : memref<49152xf32, #tpu.memory_space<vmem>> -> memref<3072xf32, #tpu.memory_space<vmem>>
        %parallel_loop3A_147 = tpu.vector_load_idx %parallel_loop3A_146[%parallel_loop3A_90] : memref<3072xf32, #tpu.memory_space<vmem>>[vector<16xi32>], vector<16xf32>,
        %parallel_loop3A_148 = arith.constant 6 : i32
        %parallel_loop3A_149 = arith.constant 0 : i32
        %parallel_loop3A_150 = arith.index_cast %parallel_loop3A_148 : i32 to index
        %parallel_loop3A_151 = arith.index_cast %parallel_loop3A_149 : i32 to index
        %parallel_loop3A_152 = arith.index_cast %parallel_loop3A_77 : i32 to index
        %parallel_loop3A_153 = tpu.vector_load %arg10[%parallel_loop3A_150, %parallel_loop3A_151, %parallel_loop3A_152] {strides = array<i32>} : memref<16x1x2048xf32, #tpu.memory_space<vmem>>, vector<16xf32>,
        tpu.vector_store %arg10[%parallel_loop3A_150, %parallel_loop3A_151, %parallel_loop3A_152], %parallel_loop3A_147 {strides = array<i32>} : memref<16x1x2048xf32, #tpu.memory_space<vmem>>, vector<16xf32>,
        %parallel_loop3A_154 = arith.constant 21504 : i32
        %parallel_loop3A_155 = tpu.memref_slice %arg6[%parallel_loop3A_154] : memref<49152xf32, #tpu.memory_space<vmem>> -> memref<3072xf32, #tpu.memory_space<vmem>>
        %parallel_loop3A_156 = tpu.vector_load_idx %parallel_loop3A_155[%parallel_loop3A_90] : memref<3072xf32, #tpu.memory_space<vmem>>[vector<16xi32>], vector<16xf32>,
        %parallel_loop3A_157 = arith.constant 7 : i32
        %parallel_loop3A_158 = arith.constant 0 : i32
        %parallel_loop3A_159 = arith.index_cast %parallel_loop3A_157 : i32 to index
        %parallel_loop3A_160 = arith.index_cast %parallel_loop3A_158 : i32 to index
        %parallel_loop3A_161 = arith.index_cast %parallel_loop3A_77 : i32 to index
        %parallel_loop3A_162 = tpu.vector_load %arg10[%parallel_loop3A_159, %parallel_loop3A_160, %parallel_loop3A_161] {strides = array<i32>} : memref<16x1x2048xf32, #tpu.memory_space<vmem>>, vector<16xf32>,
        tpu.vector_store %arg10[%parallel_loop3A_159, %parallel_loop3A_160, %parallel_loop3A_161], %parallel_loop3A_156 {strides = array<i32>} : memref<16x1x2048xf32, #tpu.memory_space<vmem>>, vector<16xf32>,
        %parallel_loop3A_163 = arith.constant 24576 : i32
        %parallel_loop3A_164 = tpu.memref_slice %arg6[%parallel_loop3A_163] : memref<49152xf32, #tpu.memory_space<vmem>> -> memref<3072xf32, #tpu.memory_space<vmem>>
        %parallel_loop3A_165 = tpu.vector_load_idx %parallel_loop3A_164[%parallel_loop3A_90] : memref<3072xf32, #tpu.memory_space<vmem>>[vector<16xi32>], vector<16xf32>,
        %parallel_loop3A_166 = arith.constant 8 : i32
        %parallel_loop3A_167 = arith.constant 0 : i32
        %parallel_loop3A_168 = arith.index_cast %parallel_loop3A_166 : i32 to index
        %parallel_loop3A_169 = arith.index_cast %parallel_loop3A_167 : i32 to index
        %parallel_loop3A_170 = arith.index_cast %parallel_loop3A_77 : i32 to index
        %parallel_loop3A_171 = tpu.vector_load %arg10[%parallel_loop3A_168, %parallel_loop3A_169, %parallel_loop3A_170] {strides = array<i32>} : memref<16x1x2048xf32, #tpu.memory_space<vmem>>, vector<16xf32>,
        tpu.vector_store %arg10[%parallel_loop3A_168, %parallel_loop3A_169, %parallel_loop3A_170], %parallel_loop3A_165 {strides = array<i32>} : memref<16x1x2048xf32, #tpu.memory_space<vmem>>, vector<16xf32>,
        %parallel_loop3A_172 = arith.constant 27648 : i32
        %parallel_loop3A_173 = tpu.memref_slice %arg6[%parallel_loop3A_172] : memref<49152xf32, #tpu.memory_space<vmem>> -> memref<3072xf32, #tpu.memory_space<vmem>>
        %parallel_loop3A_174 = tpu.vector_load_idx %parallel_loop3A_173[%parallel_loop3A_90] : memref<3072xf32, #tpu.memory_space<vmem>>[vector<16xi32>], vector<16xf32>,
        %parallel_loop3A_175 = arith.constant 9 : i32
        %parallel_loop3A_176 = arith.constant 0 : i32
        %parallel_loop3A_177 = arith.index_cast %parallel_loop3A_175 : i32 to index
        %parallel_loop3A_178 = arith.index_cast %parallel_loop3A_176 : i32 to index
        %parallel_loop3A_179 = arith.index_cast %parallel_loop3A_77 : i32 to index
        %parallel_loop3A_180 = tpu.vector_load %arg10[%parallel_loop3A_177, %parallel_loop3A_178, %parallel_loop3A_179] {strides = array<i32>} : memref<16x1x2048xf32, #tpu.memory_space<vmem>>, vector<16xf32>,
        tpu.vector_store %arg10[%parallel_loop3A_177, %parallel_loop3A_178, %parallel_loop3A_179], %parallel_loop3A_174 {strides = array<i32>} : memref<16x1x2048xf32, #tpu.memory_space<vmem>>, vector<16xf32>,
        %parallel_loop3A_181 = arith.constant 30720 : i32
        %parallel_loop3A_182 = tpu.memref_slice %arg6[%parallel_loop3A_181] : memref<49152xf32, #tpu.memory_space<vmem>> -> memref<3072xf32, #tpu.memory_space<vmem>>
        %parallel_loop3A_183 = tpu.vector_load_idx %parallel_loop3A_182[%parallel_loop3A_90] : memref<3072xf32, #tpu.memory_space<vmem>>[vector<16xi32>], vector<16xf32>,
        %parallel_loop3A_184 = arith.constant 10 : i32
        %parallel_loop3A_185 = arith.constant 0 : i32
        %parallel_loop3A_186 = arith.index_cast %parallel_loop3A_184 : i32 to index
        %parallel_loop3A_187 = arith.index_cast %parallel_loop3A_185 : i32 to index
        %parallel_loop3A_188 = arith.index_cast %parallel_loop3A_77 : i32 to index
        %parallel_loop3A_189 = tpu.vector_load %arg10[%parallel_loop3A_186, %parallel_loop3A_187, %parallel_loop3A_188] {strides = array<i32>} : memref<16x1x2048xf32, #tpu.memory_space<vmem>>, vector<16xf32>,
        tpu.vector_store %arg10[%parallel_loop3A_186, %parallel_loop3A_187, %parallel_loop3A_188], %parallel_loop3A_183 {strides = array<i32>} : memref<16x1x2048xf32, #tpu.memory_space<vmem>>, vector<16xf32>,
        %parallel_loop3A_190 = arith.constant 33792 : i32
        %parallel_loop3A_191 = tpu.memref_slice %arg6[%parallel_loop3A_190] : memref<49152xf32, #tpu.memory_space<vmem>> -> memref<3072xf32, #tpu.memory_space<vmem>>
        %parallel_loop3A_192 = tpu.vector_load_idx %parallel_loop3A_191[%parallel_loop3A_90] : memref<3072xf32, #tpu.memory_space<vmem>>[vector<16xi32>], vector<16xf32>,
        %parallel_loop3A_193 = arith.constant 11 : i32
        %parallel_loop3A_194 = arith.constant 0 : i32
        %parallel_loop3A_195 = arith.index_cast %parallel_loop3A_193 : i32 to index
        %parallel_loop3A_196 = arith.index_cast %parallel_loop3A_194 : i32 to index
        %parallel_loop3A_197 = arith.index_cast %parallel_loop3A_77 : i32 to index
        %parallel_loop3A_198 = tpu.vector_load %arg10[%parallel_loop3A_195, %parallel_loop3A_196, %parallel_loop3A_197] {strides = array<i32>} : memref<16x1x2048xf32, #tpu.memory_space<vmem>>, vector<16xf32>,
        tpu.vector_store %arg10[%parallel_loop3A_195, %parallel_loop3A_196, %parallel_loop3A_197], %parallel_loop3A_192 {strides = array<i32>} : memref<16x1x2048xf32, #tpu.memory_space<vmem>>, vector<16xf32>,
        %parallel_loop3A_199 = arith.constant 36864 : i32
        %parallel_loop3A_200 = tpu.memref_slice %arg6[%parallel_loop3A_199] : memref<49152xf32, #tpu.memory_space<vmem>> -> memref<3072xf32, #tpu.memory_space<vmem>>
        %parallel_loop3A_201 = tpu.vector_load_idx %parallel_loop3A_200[%parallel_loop3A_90] : memref<3072xf32, #tpu.memory_space<vmem>>[vector<16xi32>], vector<16xf32>,
        %parallel_loop3A_202 = arith.constant 12 : i32
        %parallel_loop3A_203 = arith.constant 0 : i32
        %parallel_loop3A_204 = arith.index_cast %parallel_loop3A_202 : i32 to index
        %parallel_loop3A_205 = arith.index_cast %parallel_loop3A_203 : i32 to index
        %parallel_loop3A_206 = arith.index_cast %parallel_loop3A_77 : i32 to index
        %parallel_loop3A_207 = tpu.vector_load %arg10[%parallel_loop3A_204, %parallel_loop3A_205, %parallel_loop3A_206] {strides = array<i32>} : memref<16x1x2048xf32, #tpu.memory_space<vmem>>, vector<16xf32>,
        tpu.vector_store %arg10[%parallel_loop3A_204, %parallel_loop3A_205, %parallel_loop3A_206], %parallel_loop3A_201 {strides = array<i32>} : memref<16x1x2048xf32, #tpu.memory_space<vmem>>, vector<16xf32>,
        %parallel_loop3A_208 = arith.constant 39936 : i32
        %parallel_loop3A_209 = tpu.memref_slice %arg6[%parallel_loop3A_208] : memref<49152xf32, #tpu.memory_space<vmem>> -> memref<3072xf32, #tpu.memory_space<vmem>>
        %parallel_loop3A_210 = tpu.vector_load_idx %parallel_loop3A_209[%parallel_loop3A_90] : memref<3072xf32, #tpu.memory_space<vmem>>[vector<16xi32>], vector<16xf32>,
        %parallel_loop3A_211 = arith.constant 13 : i32
        %parallel_loop3A_212 = arith.constant 0 : i32
        %parallel_loop3A_213 = arith.index_cast %parallel_loop3A_211 : i32 to index
        %parallel_loop3A_214 = arith.index_cast %parallel_loop3A_212 : i32 to index
        %parallel_loop3A_215 = arith.index_cast %parallel_loop3A_77 : i32 to index
        %parallel_loop3A_216 = tpu.vector_load %arg10[%parallel_loop3A_213, %parallel_loop3A_214, %parallel_loop3A_215] {strides = array<i32>} : memref<16x1x2048xf32, #tpu.memory_space<vmem>>, vector<16xf32>,
        tpu.vector_store %arg10[%parallel_loop3A_213, %parallel_loop3A_214, %parallel_loop3A_215], %parallel_loop3A_210 {strides = array<i32>} : memref<16x1x2048xf32, #tpu.memory_space<vmem>>, vector<16xf32>,
        %parallel_loop3A_217 = arith.constant 43008 : i32
        %parallel_loop3A_218 = tpu.memref_slice %arg6[%parallel_loop3A_217] : memref<49152xf32, #tpu.memory_space<vmem>> -> memref<3072xf32, #tpu.memory_space<vmem>>
        %parallel_loop3A_219 = tpu.vector_load_idx %parallel_loop3A_218[%parallel_loop3A_90] : memref<3072xf32, #tpu.memory_space<vmem>>[vector<16xi32>], vector<16xf32>,
        %parallel_loop3A_220 = arith.constant 14 : i32
        %parallel_loop3A_221 = arith.constant 0 : i32
        %parallel_loop3A_222 = arith.index_cast %parallel_loop3A_220 : i32 to index
        %parallel_loop3A_223 = arith.index_cast %parallel_loop3A_221 : i32 to index
        %parallel_loop3A_224 = arith.index_cast %parallel_loop3A_77 : i32 to index
        %parallel_loop3A_225 = tpu.vector_load %arg10[%parallel_loop3A_222, %parallel_loop3A_223, %parallel_loop3A_224] {strides = array<i32>} : memref<16x1x2048xf32, #tpu.memory_space<vmem>>, vector<16xf32>,
        tpu.vector_store %arg10[%parallel_loop3A_222, %parallel_loop3A_223, %parallel_loop3A_224], %parallel_loop3A_219 {strides = array<i32>} : memref<16x1x2048xf32, #tpu.memory_space<vmem>>, vector<16xf32>,
        %parallel_loop3A_226 = arith.constant 46080 : i32
        %parallel_loop3A_227 = tpu.memref_slice %arg6[%parallel_loop3A_226] : memref<49152xf32, #tpu.memory_space<vmem>> -> memref<3072xf32, #tpu.memory_space<vmem>>
        %parallel_loop3A_228 = tpu.vector_load_idx %parallel_loop3A_227[%parallel_loop3A_90] : memref<3072xf32, #tpu.memory_space<vmem>>[vector<16xi32>], vector<16xf32>,
        %parallel_loop3A_229 = arith.constant 15 : i32
        %parallel_loop3A_230 = arith.constant 0 : i32
        %parallel_loop3A_231 = arith.index_cast %parallel_loop3A_229 : i32 to index
        %parallel_loop3A_232 = arith.index_cast %parallel_loop3A_230 : i32 to index
        %parallel_loop3A_233 = arith.index_cast %parallel_loop3A_77 : i32 to index
        %parallel_loop3A_234 = tpu.vector_load %arg10[%parallel_loop3A_231, %parallel_loop3A_232, %parallel_loop3A_233] {strides = array<i32>} : memref<16x1x2048xf32, #tpu.memory_space<vmem>>, vector<16xf32>,
        tpu.vector_store %arg10[%parallel_loop3A_231, %parallel_loop3A_232, %parallel_loop3A_233], %parallel_loop3A_228 {strides = array<i32>} : memref<16x1x2048xf32, #tpu.memory_space<vmem>>, vector<16xf32>,
      } {sc.loop_unroll_factor = 4 : i64, sc.parallel_access}
      %add3A_69 = arith.constant 1 : i32
      %add3A_70 = arith.addi %add3A_26, %add3A_69 : i32
      %dma_start3A_71 = arith.constant 0 : i32
      %dma_start3A_72 = arith.constant 0 : i32
      %dma_start3A_73 = tpu.memref_slice %arg5[%dma_start3A_71, %add3A_70, %dma_start3A_72] : memref<16x2048x2048xf32, #tpu.memory_space<hbm>> -> memref<16x1x2048xf32, #tpu.memory_space<hbm>>
      %dma_start3A_74 = arith.constant 0 : i32
      %dma_start3A_75 = arith.constant 0 : i32
      %dma_start3A_76 = tpu.memref_slice %arg5[%dma_start3A_74, %add3A_70, %dma_start3A_75] : memref<16x2048x2048xf32, #tpu.memory_space<hbm>> -> memref<16x1x2048xf32, #tpu.memory_space<hbm>>
      tpu.enqueue_dma source(%arg10 : memref<16x1x2048xf32, #tpu.memory_space<vmem>>) target(%dma_start3A_76 : memref<16x1x2048xf32, #tpu.memory_space<hbm>>) target_semaphore(%arg12 : memref<!tpu.dma_semaphore, #tpu.memory_space<semaphore_mem>>)
    }
    %scan3A_7 = arith.constant 32 : i32
    %dma_wait3A = arith.constant 0 : i32
    %dma_wait3A_8 = arith.constant 0 : i32
    %dma_wait3A_9 = arith.constant 0 : i32
    %dma_wait3A_10 = tpu.memref_slice %arg5[%dma_wait3A, %dma_wait3A_8, %dma_wait3A_9] : memref<16x2048x2048xf32, #tpu.memory_space<hbm>> -> memref<16x1x2048xf32, #tpu.memory_space<hbm>>
    %dma_wait3A_11 = arith.constant 0 : i32
    %dma_wait3A_12 = arith.constant 0 : i32
    %dma_wait3A_13 = arith.constant 0 : i32
    %dma_wait3A_14 = tpu.memref_slice %arg5[%dma_wait3A_11, %dma_wait3A_12, %dma_wait3A_13] : memref<16x2048x2048xf32, #tpu.memory_space<hbm>> -> memref<16x1x2048xf32, #tpu.memory_space<hbm>>
    tpu.wait_dma2 semaphore(%arg11 : memref<!tpu.dma_semaphore, #tpu.memory_space<semaphore_mem>>) src(%dma_wait3A_14 : memref<16x1x2048xf32, #tpu.memory_space<hbm>>) dst(%arg9 : memref<16x1x2048xf32, #tpu.memory_space<vmem>>)
    %dma_wait3A_15 = arith.constant 0 : i32
    %dma_wait3A_16 = arith.constant 0 : i32
    %dma_wait3A_17 = arith.constant 0 : i32
    %dma_wait3A_18 = tpu.memref_slice %arg5[%dma_wait3A_15, %dma_wait3A_16, %dma_wait3A_17] : memref<16x2048x2048xf32, #tpu.memory_space<hbm>> -> memref<16x1x2048xf32, #tpu.memory_space<hbm>>
    %dma_wait3A_19 = arith.constant 0 : i32
    %dma_wait3A_20 = arith.constant 0 : i32
    %dma_wait3A_21 = arith.constant 0 : i32
    %dma_wait3A_22 = tpu.memref_slice %arg5[%dma_wait3A_19, %dma_wait3A_20, %dma_wait3A_21] : memref<16x2048x2048xf32, #tpu.memory_space<hbm>> -> memref<16x1x2048xf32, #tpu.memory_space<hbm>>
    tpu.wait_dma2 semaphore(%arg12 : memref<!tpu.dma_semaphore, #tpu.memory_space<semaphore_mem>>) src(%dma_wait3A_22 : memref<16x1x2048xf32, #tpu.memory_space<hbm>>) dst(%arg10 : memref<16x1x2048xf32, #tpu.memory_space<vmem>>)
    return
  }
}

module attributes {stable_mosaic.version = 14 : i64} {
  func.func @_lut_body(%arg0: memref<32x16xf32, #tpu.memory_space<vmem>>, %arg1: memref<16x2048xf32, #tpu.memory_space<vmem>>) attributes {dimension_semantics = [], scalar_prefetch = 0 : i64, scratch_operands = 0 : i64, tpu.core_type = #tpu.core_type<tc>} {
    %iota3A = tpu.iota {dimensions = array<i32: 1>} : vector<32x2048xi32>
    %iota3A_0 = tpu.iota {dimensions = array<i32: 0>} : vector<32x2048xi32>
    %convert_element_type3A = arith.sitofp %iota3A : vector<32x2048xi32> to vector<32x2048xf32>
    %max3A = arith.constant 1.000000e+00 : f32
    %max3A_1 = vector.broadcast %max3A : f32 to vector<32x2048xf32>
    %max3A_2 = arith.maximumf %convert_element_type3A, %max3A_1 : vector<32x2048xf32>
    %div3A = arith.constant 1.600000e+01 : f32
    %div3A_3 = vector.broadcast %div3A : f32 to vector<32x2048xf32>
    %div3A_4 = arith.divf %max3A_2, %div3A_3 : vector<32x2048xf32>
    %log3A = math.log %div3A_4 : vector<32x2048xf32>
    %div3A_5 = arith.constant 2.07944155 : f32
    %div3A_6 = vector.broadcast %div3A_5 : f32 to vector<32x2048xf32>
    %div3A_7 = arith.divf %log3A, %div3A_6 : vector<32x2048xf32>
    %mul3A = arith.constant 1.600000e+01 : f32
    %mul3A_8 = vector.broadcast %mul3A : f32 to vector<32x2048xf32>
    %mul3A_9 = arith.mulf %div3A_7, %mul3A_8 : vector<32x2048xf32>
    %convert_element_type3A_10 = arith.fptosi %mul3A_9 : vector<32x2048xf32> to vector<32x2048xi32>
    %add3A = arith.constant 16 : i32
    %add3A_11 = vector.broadcast %add3A : i32 to vector<32x2048xi32>
    %add3A_12 = arith.addi %add3A_11, %convert_element_type3A_10 : vector<32x2048xi32>
    %min3A = arith.constant 31 : i32
    %min3A_13 = vector.broadcast %min3A : i32 to vector<32x2048xi32>
    %min3A_14 = arith.minsi %add3A_12, %min3A_13 : vector<32x2048xi32>
    %lt3A = arith.constant 16 : i32
    %lt3A_15 = vector.broadcast %lt3A : i32 to vector<32x2048xi32>
    %lt3A_16 = arith.cmpi slt, %iota3A, %lt3A_15 : vector<32x2048xi32>
    %select_n3A = arith.select %lt3A_16, %iota3A, %min3A_14 : vector<32x2048xi1>, vector<32x2048xi32>
    %eq3A = arith.cmpi eq, %select_n3A, %iota3A_0 : vector<32x2048xi32>
    %convert_element_type3A_17 = arith.extui %eq3A : vector<32x2048xi1> to vector<32x2048xi32>
    %convert_element_type3A_18 = arith.sitofp %convert_element_type3A_17 : vector<32x2048xi32> to vector<32x2048xf32>
    %get3A = arith.constant 0 : index
    %get3A_19 = arith.constant 0 : index
    %get3A_20 = vector.load %arg0[%get3A, %get3A_19] : memref<32x16xf32, #tpu.memory_space<vmem>>, vector<32x16xf32>
    %dot_general3A = arith.constant dense<0.000000e+00> : vector<16x2048xf32>
    %dot_general3A_21 = tpu.matmul %get3A_20, %convert_element_type3A_18, %dot_general3A {dimension_numbers = #tpu.dot_dimension_numbers<[0], [0], [1], [1], [0, 1, 1, 1], [], []>, precision = #tpu.contract_precision<fp32>, transpose_lhs_hint = false} : vector<32x16xf32>, vector<32x2048xf32>, vector<16x2048xf32> -> vector<16x2048xf32>
    %swap3A = arith.constant 0 : index
    %swap3A_22 = arith.constant 0 : index
    %swap3A_23 = vector.load %arg1[%swap3A, %swap3A_22] : memref<16x2048xf32, #tpu.memory_space<vmem>>, vector<16x2048xf32>
    tpu.vector_store %arg1[%swap3A, %swap3A_22], %dot_general3A_21 {strides = array<i32>} : memref<16x2048xf32, #tpu.memory_space<vmem>>, vector<16x2048xf32>,
    return
  }
}

</mosaic_0001>

<sc_bundles>
// kernel: _run.4.cloned.1.call-start
scs
__scs_entry_jumppad:
0x0: {  	(pc) =	sbr.rel $0x88, $3  }
0x1: {  	(tag) =	ssettag $0x0;
	lr =	simm.s32 $0x1  }
0x2: {  	[smem:$0x3F9E] =	sst lr;
	_ =	strace $0xD0000000  }
0x3: {  	_ = 	snop  }
0x4: {  	_ = 	snop  }
0x5: {  	_ = 	snop  }
0x6: {  	_ = 	snop  }
0x7: {  	_ = 	snop  }
__scs_overlays_trampoline_lowered:
0x8: {  	[smem:$0x3FAD] =	sst s0  }
0x9: {  	[smem:$0x3FAE] =	sst s1  }
0xa: {  	[smem:$0x3FAF] =	sst s2  }
0xb: {  	[smem:$0x3FB0] =	sst s3  }
0xc: {  	[smem:$0x3FB1] =	sst s4  }
0xd: {  	[smem:$0x3FB2] =	sst s5  }
0xe: {  	[smem:$0x3FB3] =	sst s6  }
0xf: {  	[smem:$0x3FB4] =	sst s7  }
0x10: {  	[smem:$0x3FB5] =	sst s8  }
0x11: {  	[smem:$0x3FB6] =	sst s9;
	s0 =	simm.s32 @!p0 $0x0  }
0x12: {  	s1 =	sld [smem:$0x3F9C];
	s0 =	simm.s32 @p0 $0x1  }
0x13: {  	[smem:$0x3FB7] =	sst s0;
	s0 =	simm.s32 @!p1 $0x0  }
0x14: {  	s2 =	sld [smem:$0x3F9B];
	s0 =	simm.s32 @p1 $0x1  }
0x15: {  	[smem:$0x3FB8] =	sst s0;
	s0 =	simm.s32 @!p2 $0x0  }
0x16: {  	s3 =	sld [smem:$0x3FDB];
	s0 =	simm.s32 @p2 $0x1  }
0x17: {  	s4 =	simm.s32 $0x1BF5;
	[smem:$0x3FBA] =	sst s0  }
0x18: {  	s0 =	sld [smem:$0x3F9D];
	_ =	swait.ge [sflag:s4], $0x0  }
0x19: {  	s7 =	sld [smem:$0x3F9E]  }
0x1a: {  	s8 =	sadd.s32 $0xFFFFE003, lr  }
0x1b: {  	s9 =	sadd.s32 $0xFFFFFEF7, lr;
	s5 =	simm.s32 $0xFFFFFFFF;
	p2 =	slt.u32 s8, $0xFFFFF086  }
0x1c: {  	p1 =	slt.u32 s9, $0xF7A;
	s5 =	simm.s32 @!p2 $0x0  }
0x1d: {  	s5 =	simm.s32 @p1 $0x1;
	p0 =	seq.s32 s7, s2  }
0x1e: {  	s7 =	smul.u32 @!p0 $0xF7A, s2;
	p2 =	seq.s32 @!p0 s5, $0x0  }
0x1f: {  	s9 =	smul.u32 $0xF7A, s1;
	s8 =	simm.s32 @!p0 $0x1BF5;
	p2 =	por !p2, p0  }
0x20: {  	[sflag:s8] =	ssyncset.s32 @!p0 $0xFFFFF086;
	s6 =	sadd.s32 @!p0 s3, s7;
	s7 =	simm.s32 @!p0 $0x108  }
0x21: {  	s3 =	sadd.s32 s3, s9;
	s6 =	sadd.s32 @!p0 $0x88, s6;
	s7 =	simm.s32 @p2 $0x1082  }
0x22: {  	[simem:s7], [sflag:s8] =	dma.local @!p0 [hbm:s6], $0xF7A  }
0x23: {  	s9 =	sor.u32 $0xD0000000, s2;
	s6 =	simm.s32 $0x108;
	_ =	swait.ge @!p0 [sflag:s8], $0x0  }
0x24: {  	s3 =	sadd.s32 $0x88, s3;
	s6 =	simm.s32 @!p1 $0x1082;
	[sflag:s4] =	ssyncset.s32 $0xFFFFF086  }
0x25: {  	[simem:s6], [sflag:s4] =	dma.local [hbm:s3], $0xF7A  }
0x26: {  	[smem:$0x3F9E] =	sst s1;
	(tag) =	ssettag s2;
	_ =	strace s9  }
0x27: {  	s1 =	sld [smem:$0x3FAE]  }
0x28: {  	s2 =	sld [smem:$0x3FAF]  }
0x29: {  	s4 =	sld [smem:$0x3FB1]  }
0x2a: {  	p0 =	seq.s32 s5, $0x0;
	s5 =	sld [smem:$0x3FB2]  }
0x2b: {  	s6 =	sld [smem:$0x3FB3]  }
0x2c: {  	s7 =	sld [smem:$0x3FB4]  }
0x2d: {  	s3 =	simm.s32 $0x108;
	s8 =	sld [smem:$0x3FB5]  }
0x2e: {  	s3 =	simm.s32 @!p0 $0x1082;
	s9 =	sld [smem:$0x3FB6]  }
0x2f: {  	lr =	sadd.s32 s0, s3;
	s0 =	sld [smem:$0x3FAD]  }
0x30: {  	s3 =	sld [smem:$0x3FB0]  }
0x31: {  	[smem:$0x3FB9] =	sst s10  }
0x32: {  	s10 =	sld [smem:$0x3FB7];
	_ =	sdelay $0x3  }
0x33: {  	p0 =	seq.s32 s10, $0x1;
	s10 =	sld [smem:$0x3FB9];
	_ =	sdelay $0x3  }
0x34: {  	[smem:$0x3FB9] =	sst s10  }
0x35: {  	s10 =	sld [smem:$0x3FB8];
	_ =	sdelay $0x3  }
0x36: {  	p1 =	seq.s32 s10, $0x1;
	s10 =	sld [smem:$0x3FB9];
	_ =	sdelay $0x3  }
0x37: {  	[smem:$0x3FB9] =	sst s10  }
0x38: {  	s10 =	sld [smem:$0x3FBA]  }
0x39: {  	_ = 	snop;
	(pc) =	sbr.ind lr, $3  }
0x3a: {  	_ = 	snop  }
0x3b: {  	_ = 	snop  }
0x3c: {  	p2 =	seq.s32 s10, $0x1;
	s10 =	sld [smem:$0x3FB9]  }
0x3d: {  	_ =	shalt  }
0x3e: {  	_ =	shalt  }
0x3f: {  	_ =	shalt  }
0x40: {  	_ =	shalt  }
0x41: {  	_ =	shalt  }
0x42: {  	_ =	shalt  }
0x43: {  	_ =	shalt  }
0x44: {  	_ =	shalt  }
0x45: {  	_ =	shalt  }
0x46: {  	_ =	shalt  }
0x47: {  	_ =	shalt  }
0x48: {  	_ =	shalt  }
0x49: {  	_ =	shalt  }
0x4a: {  	_ =	shalt  }
0x4b: {  	_ =	shalt  }
0x4c: {  	_ =	shalt  }
0x4d: {  	_ =	shalt  }
0x4e: {  	_ =	shalt  }
0x4f: {  	_ =	shalt  }
0x50: {  	_ =	shalt  }
0x51: {  	_ =	shalt  }
0x52: {  	_ =	shalt  }
0x53: {  	_ =	shalt  }
0x54: {  	_ =	shalt  }
0x55: {  	_ =	shalt  }
0x56: {  	_ =	shalt  }
0x57: {  	_ =	shalt  }
0x58: {  	_ =	shalt  }
0x59: {  	_ =	shalt  }
0x5a: {  	_ =	shalt  }
0x5b: {  	_ =	shalt  }
0x5c: {  	_ =	shalt  }
0x5d: {  	_ =	shalt  }
0x5e: {  	_ =	shalt  }
0x5f: {  	_ =	shalt  }
0x60: {  	_ =	shalt  }
0x61: {  	_ =	shalt  }
0x62: {  	_ =	shalt  }
0x63: {  	_ =	shalt  }
0x64: {  	_ =	shalt  }
0x65: {  	_ =	shalt  }
0x66: {  	_ =	shalt  }
0x67: {  	_ =	shalt  }
0x68: {  	_ =	shalt  }
0x69: {  	_ =	shalt  }
0x6a: {  	_ =	shalt  }
0x6b: {  	_ =	shalt  }
0x6c: {  	_ =	shalt  }
0x6d: {  	_ =	shalt  }
0x6e: {  	_ =	shalt  }
0x6f: {  	_ =	shalt  }
0x70: {  	_ =	shalt  }
0x71: {  	_ =	shalt  }
0x72: {  	_ =	shalt  }
0x73: {  	_ =	shalt  }
0x74: {  	_ =	shalt  }
0x75: {  	_ =	shalt  }
0x76: {  	_ =	shalt  }
0x77: {  	_ =	shalt  }
0x78: {  	_ =	shalt  }
0x79: {  	_ =	shalt  }
0x7a: {  	_ =	shalt  }
0x7b: {  	_ =	shalt  }
0x7c: {  	_ =	shalt  }
0x7d: {  	_ =	shalt  }
0x7e: {  	_ =	shalt  }
0x7f: {  	_ =	shalt  }
0x80: {  	_ =	shalt  }
0x81: {  	_ =	shalt  }
0x82: {  	_ =	shalt  }
0x83: {  	_ =	shalt  }
0x84: {  	_ =	shalt  }
0x85: {  	_ =	shalt  }
0x86: {  	_ =	shalt  }
0x87: {  	_ =	shalt  }
.Lfunc_end0:
.L_simem_size_0:
called_computation_lowered:
.L_overlay_start_0:
0x88: {  	s2 =	sld [smem:$0x3FD9]  }
0x89: {  	s3 =	sld [smem:$0x3FFE];
	_ =	sdelay $0x1  }
0x8a: {  	s1 =	srdreg.scid  }
0x8b: {  	s0 =	sand.u32 $0x1, s1  }
0x8c: {  	s17 =	sshll.u32 s0, $0xA;
	s2 =	sadd.s32 s3, s2  }
0x8d: {  	s2 =	sadd.s32 s2, s17  }
0x8e: {  	[smem:$0x3FC5] =	sst s2  }
0x8f: {  	_ = 	snop  }
0x90: {  	s2 =	sld [smem:$0x3FC9]  }
0x91: {  	s18 =	sld [smem:$0x3FC8]  }
0x92: {  	s4 =	sld [smem:$0x3FD0];
	(tm) =	ssettm $0x1  }
0x93: {  	s5 =	sld [smem:$0x3FFB];
	_ =	sdelay $0x3  }
0x94: {  	_ =	strace s5  }
0x95: {  	s5 =	sld [smem:$0x3FFC];
	_ =	sdelay $0x3  }
0x96: {  	_ =	strace s5  }
0x97: {  	s5 =	sld [smem:$0x3FFD];
	_ =	sdelay $0x3  }
0x98: {  	_ =	strace s5  }
0x99: {  	_ =	strace $0x8FFFFFFF  }
0x9a: {  	s19 =	sld [smem:$0x3FDB];
	_ =	sdelay $0x1  }
0x9b: {  	s6 =	simm.s32 $_scs_section_size  }
0x9c: {  	s7 =	simm.s32 $_size__tile_overlayer_lowered;
	s8 =	simm.s32 $_tile_overlayer_lowered  }
0x9d: {  	s22 =	simm.s32 $0x1BFF;
	s21 =	sshll.u32 s8, $0x1;
	s5 =	sadd.s32 s6, s19  }
0x9e: {  	s9 =	simm.s32 $0x0;
	s20 =	sshll.u32 s7, $0x1;
	s7 =	sadd.s32 s21, s5  }
0x9f: {  	[timem:s9], [sflag:s22] =	dma.local [hbm:s7], s20  }
0xa0: {  	_ =	swait.ge [sflag:s22], s20  }
0xa1: {  	s6 =	ssub.s32 $0x0, s20;
	[sflag:s22] =	ssyncset.done $0x0  }
0xa2: {  	[sflag:s22] =	ssyncadd.s32 s6;
	_ =	sdelay $0x1  }
0xa3: {  	s23 =	simm.s32 $0x1B8B  }
0xa4: {  	_ =	swait.ge [sflag:s23], $0x1  }
0xa5: {  	[sflag:s23] =	ssyncset.done $0x0  }
0xa6: {  	s25 =	simm.s32 $0x1B8E;
	s24 =	sld [smem:$0x3FFE];
	[sflag:s23] =	ssyncadd.s32 $0xFFFFFFFF  }
0xa7: {  	s26 =	simm.s32 $execute0_lowered;
	[smem:$0x3FD2] =	sst s25  }
0xa8: {  	s7 =	sshll.u32 s26, $0x1;
	_ =	strace $0x80000046;
	[dreg:$0x1] =	wrdreg $0xFFFFFFFF  }
0xa9: {  	s28 =	simm.s32 $_size_execute0_lowered;
	s5 =	sadd.s32 s5, s7;
	[dreg:$0x0] =	wrdreg $0x0  }
0xaa: {  	s7 =	sshll.u32 s28, $0x1;
	[dreg:$0x2] =	wrdreg s5  }
0xab: {  	[dreg:$0x3] =	wrdreg s7  }
0xac: {  	[dreg:$0x4] =	wrdreg $0xC0  }
0xad: {  	_ =	task [dreg:s9], $0x5FFFF  }
0xae: {  	[dreg:$0x1] =	wrdreg $0xFFFFFFFF  }
0xaf: {  	[dreg:$0x0] =	wrdreg $0x60  }
0xb0: {  	[dreg:$0x2] =	wrdreg s24  }
0xb1: {  	[dreg:$0x3] =	wrdreg s2  }
0xb2: {  	[dreg:$0x4] =	wrdreg s18  }
0xb3: {  	[dreg:$0x5] =	wrdreg s4  }
0xb4: {  	[dreg:$0x6] =	wrdreg $0x9  }
0xb5: {  	_ =	task.clear_ibuf [dreg:s9], $0x7FFFF;
	_ =	strace $0x90000046  }
0xb6: {  	s29 =	simm.s32 $0x9;
	_ =	strace $0x80000048  }
0xb7: {  	_ =	swait.ge [sflag:s29], $0x1  }
0xb8: {  	[sflag:s29] =	ssyncadd.s32 $0xFFFFFFFF  }
0xb9: {  	_ =	strace $0x90000048  }
0xba: {  	_ =	sfence  }
0xbb: {  	s30 =	sld [smem:$0x0];
	_ =	sdelay $0x2  }
0xbc: {  	s31 =	sshll.u32 s1, $0xD;
	s1 =	sshrl.u32 s1, $0x2  }
0xbd: {  	s3 =	sand.u32 $0x4000, s31;
	s1 =	sadd.s32 s1, s30  }
0xbe: {  	s0 =	sor.u32 s3, s0;
	s1 =	sshll.u32 s1, $0x11  }
0xbf: {  	s0 =	sor.u32 s1, s0  }
0xc0: {  	s0 =	sadd.s32 $0x8F2B, s0  }
0xc1: {  	[sflag:s0] =	ssyncadd.remote.s32 $0x1  }
0xc2: {  	_ =	sfence.sel $0xFFFF  }
0xc3: {  	[dreg:$0x0] =	wrdreg $0xFFFFFFFF;
	(pc) =	sbr.abs _section_cstart, $3  }
0xc4: {  	[dreg:$0x1] =	wrdreg $0xFFFFFFFF  }
0xc5: {  	_ =	task.clear_ibuf [dreg:s9], $0x2FFFF;
	_ =	strace $0x9FFFFFFF  }
0xc6: {  	(tm) =	ssettm $0x7FFFFFFF  }
0xc7: {  	_ =	shalt  }
tec
execute0_lowered:
.L_overlay_start_1:
0x0: {  	(tag) =	ssettag $0x1  }
0x1: {  	s0 =	rddreg [dreg:$0x0]  }
0x2: {  	s1 =	rddreg [dreg:$0x1];
	s17 =	simm.s32 $0x0  }
0x3: {  	s2 =	srdreg.scid;
	s4 =	stileid.u32;
	s18 =	simm.s32 $0xC00  }
0x4: {  	s21 =	simm.s32 $0x1800;
	s22 =	simm.s32 $0x2400;
	s16 =	simm.s32 $0x3000  }
0x5: {  	s19 =	simm.s32 $0x3C00;
	s20 =	simm.s32 $0x4800;
	s15 =	simm.s32 $0x6C00  }
0x6: {  	s29 =	simm.s32 $0x7800;
	[smem:$0x7FF] =	sst s17;
	s2 =	sand.u32 $0x1, s2  }
0x7: {  	s4 =	sshll.u32 s4, $0x7;
	s3 =	ssub.s32 $0x2, s2;
	s2 =	sshll.u32 s2, $0x6  }
0x8: {  	s0 =	sadd.s32 $0x400, s0;
	_ =	strace $0x80000047;
	s2 =	sor.u32 s2, s4  }
0x9: {  	s5 =	sshrl.u32 s3, $0x1;
	[dreg:$0x6] =	wrdreg s2;
	s2 =	sshrl.u32 s2, $0x3  }
0xa: {  	[dreg:$0x7] =	wrdreg s0;
	s31 =	ssub.s32 s3, s5;
	s1 =	sadd.s32 s1, s2  }
0xb: {  	s14 =	simm.s32 $0x8400;
	v0 =	vlaneseq.u32;
	s0 =	smax.u32 s31, $0x1;
	[dreg:$0x8] =	wrdreg s1  }
0xc: {  	s24 =	simm.s32 $0x9000;
	v0 =	vmul.u32 $0xFFFFFFFF, v0;
	s2 =	simm.s32 $0x0;
	[dreg:$0x9] =	wrdreg s0  }
.LBB2_1:
0xd: {  	[dreg:$0xa] =	wrdreg s2  }
0xe: {  	s0 =	rddreg [dreg:$0x7];
	s1 =	simm.s32 $0x3  }
0xf: {  	[tilespmem:s17], [sflag:$0x3] =	stream.linear.gather [hbm4b:s0+s17], $0xC000, $0x38;
	[tilespmem:$0x1C880] =	vst v63  }
0x10: {  	_ =	swait.ge [sflag:s1], $0xC000  }
0x11: {  	[sflag:s1] =	ssyncset.done $0x0  }
0x12: {  	[sflag:s1] =	ssyncadd.s32 $0xFFFF4000  }
0x13: {  	s26 =	simm.s32 $0xC000;
	s25 =	rddreg [dreg:$0x2]  }
0x14: {  	[tilespmem:s26], [sflag:$0x3] =	stream.linear.gather [hbm4b:s25+s17], $0x800, $0x38;
	[tilespmem:$0x1C880] =	vst v63  }
0x15: {  	_ =	swait.ge [sflag:s1], $0x800  }
0x16: {  	[sflag:s1] =	ssyncset.done $0x0  }
0x17: {  	s31 =	simm.s32 $0xC800;
	s30 =	rddreg [dreg:$0x8];
	[sflag:s1] =	ssyncadd.s32 $0xFFFFF800  }
0x18: {  	[tilespmem:s31], [sflag:$0x3] =	stream.linear.gather [hbm4b:s30+s17], $0x40, $0x38;
	[tilespmem:$0x1C880] =	vst v63  }
0x19: {  	_ =	swait.ge [sflag:s1], $0x40  }
0x1a: {  	s28 =	simm.s32 $0x5400;
	[sflag:s1] =	ssyncset.done $0x0  }
0x1b: {  	s23 =	simm.s32 $0x6000;
	s0 =	simm.s32 $0x0;
	[sflag:s1] =	ssyncadd.s32 $0xFFFFFFC0  }
.LBB2_2:
0x1c: {  	s2 =	sshll.u32 s0, $0x1  }
0x1d: {  	v1 =	vmov s2  }
0x1e: {  	v1 =	vand.u32 $0xFFFFFFFE, v1  }
0x1f: {  	v1 =	vbroadcast v1, $0x0  }
0x20: {  	p0 =	seq.s32 s0, $0x0  }
0x21: {  	[dreg:$0xb] =	wrdreg s0;
	s0 =	simm.s32 @!p0 $0x1  }
0x22: {  	_ =	swait.ge @!p0 [sflag:s0], $0x8000  }
0x23: {  	[sflag:s0] =	ssyncset.done @!p0 $0x0  }
0x24: {  	s8 =	simm.s32 $0xC800;
	[sflag:s0] =	ssyncadd.s32 @!p0 $0xFFFF8000  }
0x25: {  	s9 =	simm.s32 $0xC020;
	s1 =	rddreg [dreg:$0x6];
	v5 =	vld.idx.msk [tilespmem:v1+s8+$0x0], $0xffff  }
0x26: {  	s10 =	simm.s32 $0x30;
	[dreg:$0xc] =	wrdreg s2;
	s2 =	sor.u32 s1, s2  }
0x27: {  	v2 =	vmov s10;
	v10 =	vadd.s32 s2, v0;
	v1 =	vld [tilespmem:s9+$0x10]  }
0x28: {  	v2 =	vsub.s32 v10, v2  }
0x29: {  	s4 =	simm.s32 $0x10;
	vm0 =	vgt.s32 v2, $0x0;
	[dreg:$0xd] =	wrdreg s2  }
0x2a: {  	s11 =	simm.s32 $0x0;
	v4 =	vmov s4;
	v2 =	vnsel vm0, $0x0, v2;
	v7 =	vld [tilespmem:s9+$0xFFFFFFE0];
	v3 =	vshll.u32 v5, $0x5  }
0x2b: {  	v2 =	vmin.u32 v2, $0x7FF;
	v6 =	vadd.s32 $0x800, v3;
	v3 =	vmov s11  }
0x2c: {  	v9 =	vld [tilespmem:s9+$0xFFFFFFF0];
	vm0 =	veq.s32 v5, v1;
	v3 =	vsub.s32 v10, v3;
	v1 =	vadd.s32 v6, v1  }
0x2d: {  	s6 =	simm.s32 $0x20;
	v4 =	vsub.s32 v10, v4;
	vm1 =	vgt.s32 v3, $0x0;
	v11 =	vsel vm0, v2, v1  }
0x2e: {  	vm0 =	vgt.s32 v4, $0x0;
	v2 =	vmov s6;
	v1 =	vnsel vm1, $0x0, v3  }
0x2f: {  	v3 =	vnsel vm0, $0x0, v4;
	v4 =	vld [tilespmem:s9+$0x0];
	vm0 =	veq.s32 v5, v7;
	v7 =	vadd.s32 v6, v7  }
0x30: {  	v2 =	vsub.s32 v10, v2;
	v1 =	vmin.u32 v1, $0x7FF;
	v3 =	vmin.u32 v3, $0x7FF  }
0x31: {  	v8 =	vsel vm0, v1, v7;
	vm0 =	veq.s32 v5, v9;
	v1 =	vadd.s32 v6, v9  }
0x32: {  	v9 =	vsel vm0, v3, v1;
	vm0 =	vgt.s32 v2, $0x0;
	v1 =	vld.idx.msk [tilespmem:v11+s17+$0x0], $0xffff  }
0x33: {  	v2 =	vnsel vm0, $0x0, v2  }
0x34: {  	v2 =	vmin.u32 v2, $0x7FF;
	vm0 =	veq.s32 v5, v4;
	v3 =	vadd.s32 v6, v4  }
0x35: {  	v7 =	vsel vm0, v2, v3  }
0x36: {  	s12 =	simm.s32 $0xC8A0  }
0x37: {  	v2 =	vld.idx.msk [tilespmem:v8+s17+$0x0], $0xffff;
	[tilespmem:s12+$0x10] =	vst v1  }
0x38: {  	v1 =	vld.idx.msk [tilespmem:v11+s18+$0x0], $0xffff  }
0x39: {  	v3 =	vld.idx.msk [tilespmem:v9+s17+$0x0], $0xffff  }
0x3a: {  	s31 =	sand.u32 $0x780, s11;
	v4 =	vld.idx.msk [tilespmem:v7+s17+$0x0], $0xffff  }
0x3b: {  	s3 =	sand.u32 $0x70, s10;
	s7 =	sadd.s32 $0xD080, s31  }
0x3c: {  	s1 =	sor.u32 s3, s7;
	[tilespmem:s12+$0xFFFFFFE0] =	vst v2  }
0x3d: {  	v2 =	vld.idx.msk [tilespmem:v8+s18+$0x0], $0xffff;
	[tilespmem:s1+$0x0] =	vst v1  }
0x3e: {  	[tilespmem:s12+$0xFFFFFFF0] =	vst v3;
	v1 =	vld.idx.msk [tilespmem:v11+s21+$0x0], $0xffff  }
0x3f: {  	v3 =	vld.idx.msk [tilespmem:v9+s18+$0x0], $0xffff;
	[tilespmem:s12+$0x0] =	vst v4  }
0x40: {  	s2 =	sand.u32 $0x40, s11;
	v4 =	vld.idx.msk [tilespmem:v7+s18+$0x0], $0xffff  }
0x41: {  	s26 =	sadd.s32 $0xD880, s31;
	s13 =	sor.u32 s2, s7  }
0x42: {  	s5 =	sand.u32 $0x50, s4;
	s8 =	sor.u32 s3, s26;
	[tilespmem:s13+$0x0] =	vst v2  }
0x43: {  	s25 =	sor.u32 s5, s7;
	s1 =	sand.u32 $0x60, s6;
	v2 =	vld.idx.msk [tilespmem:v8+s21+$0x0], $0xffff;
	[tilespmem:s8+$0x0] =	vst v1  }
0x44: {  	s9 =	sor.u32 s1, s7;
	[tilespmem:s25+$0x0] =	vst v3;
	v1 =	vld.idx.msk [tilespmem:v11+s22+$0x0], $0xffff  }
0x45: {  	v3 =	vld.idx.msk [tilespmem:v9+s21+$0x0], $0xffff;
	[tilespmem:s9+$0x0] =	vst v4  }
0x46: {  	v4 =	vld.idx.msk [tilespmem:v7+s21+$0x0], $0xffff  }
0x47: {  	s10 =	sor.u32 s2, s26;
	s12 =	sadd.s32 $0xE080, s31  }
0x48: {  	s13 =	sor.u32 s3, s12;
	[tilespmem:s10+$0x0] =	vst v2  }
0x49: {  	s11 =	sor.u32 s5, s26;
	v2 =	vld.idx.msk [tilespmem:v8+s22+$0x0], $0xffff;
	[tilespmem:s13+$0x0] =	vst v1  }
0x4a: {  	s0 =	sor.u32 s1, s26;
	[tilespmem:s11+$0x0] =	vst v3;
	v1 =	vld.idx.msk [tilespmem:v11+s16+$0x0], $0xffff  }
0x4b: {  	v3 =	vld.idx.msk [tilespmem:v9+s22+$0x0], $0xffff;
	[tilespmem:s0+$0x0] =	vst v4  }
0x4c: {  	v4 =	vld.idx.msk [tilespmem:v7+s22+$0x0], $0xffff  }
0x4d: {  	s7 =	sadd.s32 $0xE880, s31;
	s25 =	sor.u32 s2, s12  }
0x4e: {  	s8 =	sor.u32 s3, s7;
	[tilespmem:s25+$0x0] =	vst v2  }
0x4f: {  	s26 =	sor.u32 s5, s12;
	v2 =	vld.idx.msk [tilespmem:v8+s16+$0x0], $0xffff;
	[tilespmem:s8+$0x0] =	vst v1  }
0x50: {  	s4 =	sor.u32 s1, s12;
	[tilespmem:s26+$0x0] =	vst v3;
	v1 =	vld.idx.msk [tilespmem:v11+s19+$0x0], $0xffff  }
0x51: {  	v3 =	vld.idx.msk [tilespmem:v9+s16+$0x0], $0xffff;
	[tilespmem:s4+$0x0] =	vst v4  }
0x52: {  	v4 =	vld.idx.msk [tilespmem:v7+s16+$0x0], $0xffff  }
0x53: {  	s9 =	sor.u32 s2, s7;
	s11 =	sadd.s32 $0xF080, s31  }
0x54: {  	s12 =	sor.u32 s3, s11;
	[tilespmem:s9+$0x0] =	vst v2  }
0x55: {  	s10 =	sor.u32 s5, s7;
	v2 =	vld.idx.msk [tilespmem:v8+s19+$0x0], $0xffff;
	[tilespmem:s12+$0x0] =	vst v1  }
0x56: {  	s0 =	sor.u32 s1, s7;
	[tilespmem:s10+$0x0] =	vst v3;
	v1 =	vld.idx.msk [tilespmem:v11+s20+$0x0], $0xffff  }
0x57: {  	v3 =	vld.idx.msk [tilespmem:v9+s19+$0x0], $0xffff;
	[tilespmem:s0+$0x0] =	vst v4  }
0x58: {  	v4 =	vld.idx.msk [tilespmem:v7+s19+$0x0], $0xffff  }
0x59: {  	s13 =	sor.u32 s2, s11;
	s26 =	sadd.s32 $0xF880, s31  }
0x5a: {  	s9 =	sor.u32 s3, s26;
	[tilespmem:s13+$0x0] =	vst v2  }
0x5b: {  	s25 =	sor.u32 s5, s11;
	v2 =	vld.idx.msk [tilespmem:v8+s20+$0x0], $0xffff;
	[tilespmem:s9+$0x0] =	vst v1  }
0x5c: {  	s10 =	sor.u32 s1, s11;
	[tilespmem:s25+$0x0] =	vst v3;
	v1 =	vld.idx.msk [tilespmem:v11+s28+$0x0], $0xffff  }
0x5d: {  	v3 =	vld.idx.msk [tilespmem:v9+s20+$0x0], $0xffff;
	[tilespmem:s10+$0x0] =	vst v4  }
0x5e: {  	s9 =	simm.s32 $0xC060;
	v4 =	vld.idx.msk [tilespmem:v7+s20+$0x0], $0xffff  }
0x5f: {  	s8 =	sadd.s32 $0x10080, s31;
	s11 =	sor.u32 s2, s26;
	v15 =	vld [tilespmem:s9+$0x10]  }
0x60: {  	s6 =	simm.s32 $0x40;
	s13 =	sor.u32 s3, s8;
	v18 =	vld [tilespmem:s9+$0xFFFFFFF0];
	[tilespmem:s11+$0x0] =	vst v2  }
0x61: {  	s7 =	simm.s32 $0x70;
	s4 =	simm.s32 $0x50;
	s12 =	sor.u32 s5, s26;
	v2 =	vld.idx.msk [tilespmem:v8+s28+$0x0], $0xffff;
	[tilespmem:s13+$0x0] =	vst v1;
	v1 =	vmov s6  }
0x62: {  	v16 =	vmov s7;
	v13 =	vmov s4;
	s10 =	sor.u32 s1, s26;
	[tilespmem:s12+$0x0] =	vst v3;
	v12 =	vld.idx.msk [tilespmem:v11+s23+$0x0], $0xffff;
	v1 =	vsub.s32 v10, v1  }
0x63: {  	v16 =	vsub.s32 v10, v16;
	s0 =	simm.s32 $0x60;
	[tilespmem:s10+$0x0] =	vst v4;
	v4 =	vsub.s32 v10, v13;
	v13 =	vld [tilespmem:s9+$0xFFFFFFE0];
	vm0 =	vgt.s32 v1, $0x0  }
0x64: {  	vm1 =	vgt.s32 v16, $0x0;
	v14 =	vmov s0;
	v3 =	vld.idx.msk [tilespmem:v9+s28+$0x0], $0xffff;
	v1 =	vnsel vm0, $0x0, v1  }
0x65: {  	v14 =	vsub.s32 v10, v14;
	v20 =	vld [tilespmem:s9+$0x0];
	vm0 =	vgt.s32 v4, $0x0;
	v1 =	vmin.u32 v1, $0x7FF  }
0x66: {  	s25 =	sor.u32 s2, s8;
	s9 =	sadd.s32 $0x10880, s31;
	v17 =	vld.idx.msk [tilespmem:v7+s28+$0x0], $0xffff;
	v19 =	vnsel vm0, $0x0, v4;
	vm0 =	vgt.s32 v14, $0x0;
	v4 =	vnsel vm1, $0x0, v16  }
0x67: {  	s26 =	sor.u32 s3, s9;
	[tilespmem:s25+$0x0] =	vst v2;
	vm1 =	veq.s32 v5, v15;
	v2 =	vmin.u32 v4, $0x7FF;
	v4 =	vadd.s32 v6, v15  }
0x68: {  	s11 =	sor.u32 s5, s8;
	[tilespmem:s26+$0x0] =	vst v12;
	v4 =	vsel vm1, v2, v4;
	vm1 =	veq.s32 v5, v13;
	v2 =	vadd.s32 v6, v13  }
0x69: {  	[tilespmem:s11+$0x0] =	vst v3;
	v12 =	vnsel vm0, $0x0, v14;
	v14 =	vld.idx.msk [tilespmem:v11+s15+$0x0], $0xffff;
	v3 =	vsel vm1, v1, v2  }
0x6a: {  	s8 =	sor.u32 s1, s8;
	v15 =	vld.idx.msk [tilespmem:v9+s23+$0x0], $0xffff;
	v13 =	vmin.u32 v19, $0x7FF;
	vm0 =	veq.s32 v5, v18;
	v1 =	vadd.s32 v6, v18  }
0x6b: {  	[tilespmem:s8+$0x0] =	vst v17;
	v2 =	vmin.u32 v12, $0x7FF;
	v12 =	vld.idx.msk [tilespmem:v8+s23+$0x0], $0xffff;
	v1 =	vsel vm0, v13, v1  }
0x6c: {  	s13 =	sadd.s32 $0x11080, s31;
	vm0 =	veq.s32 v5, v20;
	v13 =	vadd.s32 v6, v20;
	v16 =	vld.idx.msk [tilespmem:v7+s23+$0x0], $0xffff  }
0x6d: {  	s12 =	sor.u32 s3, s13;
	v2 =	vsel vm0, v2, v13;
	v13 =	vld.idx.msk [tilespmem:v4+s17+$0x0], $0xffff  }
0x6e: {  	s26 =	sor.u32 s5, s9;
	v17 =	vld.idx.msk [tilespmem:v3+s17+$0x0], $0xffff;
	[tilespmem:s12+$0x0] =	vst v14  }
0x6f: {  	s25 =	sor.u32 s2, s9;
	[tilespmem:s26+$0x0] =	vst v15;
	v14 =	vld.idx.msk [tilespmem:v11+s29+$0x0], $0xffff  }
0x70: {  	s9 =	sor.u32 s1, s9;
	[tilespmem:s25+$0x0] =	vst v12;
	v12 =	vld.idx.msk [tilespmem:v1+s17+$0x0], $0xffff  }
0x71: {  	s30 =	simm.s32 $0xC8E0;
	[tilespmem:s9+$0x0] =	vst v16;
	v16 =	vld.idx.msk [tilespmem:v8+s15+$0x0], $0xffff  }
0x72: {  	s12 =	sadd.s32 $0x11880, s31;
	v15 =	vld.idx.msk [tilespmem:v2+s17+$0x0], $0xffff;
	[tilespmem:s30+$0x10] =	vst v13  }
0x73: {  	s10 =	sor.u32 s3, s12;
	v13 =	vld.idx.msk [tilespmem:v9+s15+$0x0], $0xffff;
	[tilespmem:s30+$0xFFFFFFE0] =	vst v17  }
0x74: {  	v17 =	vld.idx.msk [tilespmem:v4+s18+$0x0], $0xffff;
	[tilespmem:s10+$0x0] =	vst v14  }
0x75: {  	s11 =	sor.u32 s2, s13;
	v18 =	vld.idx.msk [tilespmem:v3+s18+$0x0], $0xffff;
	[tilespmem:s30+$0xFFFFFFF0] =	vst v12  }
0x76: {  	s8 =	sand.u32 $0x780, s6;
	[tilespmem:s11+$0x0] =	vst v16;
	v12 =	vld.idx.msk [tilespmem:v11+s14+$0x0], $0xffff  }
0x77: {  	s25 =	sor.u32 s5, s13;
	s9 =	sand.u32 $0x70, s7;
	v14 =	vld.idx.msk [tilespmem:v1+s18+$0x0], $0xffff;
	[tilespmem:s30+$0x0] =	vst v15;
	s14 =	sadd.s32 $0xD080, s8  }
0x78: {  	s7 =	sand.u32 $0x40, s6;
	v15 =	vld.idx.msk [tilespmem:v2+s18+$0x0], $0xffff;
	s10 =	sor.u32 s9, s14;
	[tilespmem:s25+$0x0] =	vst v13  }
0x79: {  	s11 =	sadd.s32 $0x12080, s31;
	v16 =	vld.idx.msk [tilespmem:v8+s29+$0x0], $0xffff;
	s25 =	sor.u32 s7, s14;
	[tilespmem:s10+$0x0] =	vst v17  }
0x7a: {  	v13 =	vld.idx.msk [tilespmem:v7+s15+$0x0], $0xffff;
	s15 =	sor.u32 s3, s11;
	s10 =	sand.u32 $0x50, s4;
	[tilespmem:s25+$0x0] =	vst v18  }
0x7b: {  	s6 =	sand.u32 $0x60, s0;
	v17 =	vld.idx.msk [tilespmem:v4+s21+$0x0], $0xffff;
	s25 =	sor.u32 s10, s14;
	[tilespmem:s15+$0x0] =	vst v12  }
0x7c: {  	v18 =	vld.idx.msk [tilespmem:v3+s21+$0x0], $0xffff;
	s15 =	sor.u32 s6, s14;
	[tilespmem:s25+$0x0] =	vst v14  }
0x7d: {  	s25 =	sor.u32 s2, s12;
	v12 =	vld.idx.msk [tilespmem:v11+s24+$0x0], $0xffff;
	[tilespmem:s15+$0x0] =	vst v15  }
0x7e: {  	s24 =	sor.u32 s1, s13;
	v14 =	vld.idx.msk [tilespmem:v1+s21+$0x0], $0xffff;
	s13 =	sadd.s32 $0xD880, s8;
	[tilespmem:s25+$0x0] =	vst v16  }
0x7f: {  	v15 =	vld.idx.msk [tilespmem:v2+s21+$0x0], $0xffff;
	[tilespmem:s24+$0x0] =	vst v13;
	s14 =	sor.u32 s9, s13  }
0x80: {  	s0 =	sadd.s32 $0x12880, s31;
	v13 =	vld.idx.msk [tilespmem:v9+s29+$0x0], $0xffff;
	s15 =	sor.u32 s7, s13;
	[tilespmem:s14+$0x0] =	vst v17  }
0x81: {  	s24 =	sor.u32 s3, s0;
	v16 =	vld.idx.msk [tilespmem:v7+s29+$0x0], $0xffff;
	[tilespmem:s15+$0x0] =	vst v18  }
0x82: {  	s25 =	sor.u32 s10, s13;
	v17 =	vld.idx.msk [tilespmem:v4+s22+$0x0], $0xffff;
	[tilespmem:s24+$0x0] =	vst v12  }
0x83: {  	s15 =	sor.u32 s6, s13;
	v18 =	vld.idx.msk [tilespmem:v3+s22+$0x0], $0xffff;
	[tilespmem:s25+$0x0] =	vst v14;
	s25 =	simm.s32 $0x9C00  }
0x84: {  	s24 =	sor.u32 s5, s12;
	v12 =	vld.idx.msk [tilespmem:v11+s25+$0x0], $0xffff;
	[tilespmem:s15+$0x0] =	vst v15  }
0x85: {  	s26 =	simm.s32 $0x8400;
	s14 =	sor.u32 s1, s12;
	s12 =	sadd.s32 $0xE080, s8;
	v14 =	vld.idx.msk [tilespmem:v1+s22+$0x0], $0xffff;
	[tilespmem:s24+$0x0] =	vst v13  }
0x86: {  	s15 =	sor.u32 s9, s12;
	v13 =	vld.idx.msk [tilespmem:v8+s26+$0x0], $0xffff;
	[tilespmem:s14+$0x0] =	vst v16  }
0x87: {  	s4 =	sadd.s32 $0x13080, s31;
	s24 =	sor.u32 s7, s12;
	v15 =	vld.idx.msk [tilespmem:v2+s22+$0x0], $0xffff;
	[tilespmem:s15+$0x0] =	vst v17  }
0x88: {  	v16 =	vld.idx.msk [tilespmem:v9+s26+$0x0], $0xffff;
	s15 =	sor.u32 s3, s4;
	[tilespmem:s24+$0x0] =	vst v18  }
0x89: {  	v17 =	vld.idx.msk [tilespmem:v4+s16+$0x0], $0xffff;
	s24 =	sor.u32 s10, s12;
	[tilespmem:s15+$0x0] =	vst v12  }
0x8a: {  	s13 =	sor.u32 s2, s11;
	v18 =	vld.idx.msk [tilespmem:v3+s16+$0x0], $0xffff;
	[tilespmem:s24+$0x0] =	vst v14  }
0x8b: {  	s24 =	simm.s32 $0xA800;
	[tilespmem:s13+$0x0] =	vst v13;
	v13 =	vld.idx.msk [tilespmem:v7+s26+$0x0], $0xffff  }
0x8c: {  	s12 =	sor.u32 s6, s12;
	v12 =	vld.idx.msk [tilespmem:v11+s24+$0x0], $0xffff  }
0x8d: {  	s14 =	sadd.s32 $0xE880, s8;
	s15 =	sor.u32 s5, s11;
	v14 =	vld.idx.msk [tilespmem:v1+s16+$0x0], $0xffff;
	[tilespmem:s12+$0x0] =	vst v15  }
0x8e: {  	[tilespmem:s15+$0x0] =	vst v16;
	v15 =	vld.idx.msk [tilespmem:v2+s16+$0x0], $0xffff;
	s16 =	sor.u32 s9, s14  }
0x8f: {  	s29 =	simm.s32 $0x9000;
	s15 =	sor.u32 s7, s14;
	[tilespmem:s16+$0x0] =	vst v17  }
0x90: {  	s13 =	sadd.s32 $0x13880, s31;
	s11 =	sor.u32 s1, s11;
	v16 =	vld.idx.msk [tilespmem:v8+s29+$0x0], $0xffff;
	[tilespmem:s15+$0x0] =	vst v18  }
0x91: {  	s16 =	sor.u32 s3, s13;
	v17 =	vld.idx.msk [tilespmem:v4+s19+$0x0], $0xffff;
	[tilespmem:s11+$0x0] =	vst v13  }
0x92: {  	s26 =	sor.u32 s10, s14;
	v13 =	vld.idx.msk [tilespmem:v9+s29+$0x0], $0xffff;
	[tilespmem:s16+$0x0] =	vst v12  }
0x93: {  	v18 =	vld.idx.msk [tilespmem:v3+s19+$0x0], $0xffff;
	[tilespmem:s26+$0x0] =	vst v14;
	s26 =	simm.s32 $0xB400  }
0x94: {  	s16 =	sor.u32 s6, s14;
	v11 =	vld.idx.msk [tilespmem:v11+s26+$0x0], $0xffff  }
0x95: {  	s15 =	sor.u32 s2, s0;
	v12 =	vld.idx.msk [tilespmem:v1+s19+$0x0], $0xffff;
	[tilespmem:s16+$0x0] =	vst v15;
	s16 =	sadd.s32 $0xF080, s8  }
0x96: {  	[tilespmem:s15+$0x0] =	vst v16;
	v14 =	vld.idx.msk [tilespmem:v2+s19+$0x0], $0xffff;
	s19 =	sor.u32 s9, s16;
	s26 =	sor.u32 s7, s16  }
0x97: {  	v15 =	vld.idx.msk [tilespmem:v7+s29+$0x0], $0xffff;
	s12 =	sor.u32 s10, s16;
	s14 =	sor.u32 s6, s16;
	s16 =	sor.u32 s5, s0;
	[tilespmem:s19+$0x0] =	vst v17  }
0x98: {  	s15 =	sadd.s32 $0x14080, s31;
	[tilespmem:s16+$0x0] =	vst v13;
	v16 =	vld.idx.msk [tilespmem:v4+s20+$0x0], $0xffff  }
0x99: {  	s3 =	sor.u32 s3, s15;
	[tilespmem:s26+$0x0] =	vst v18;
	v18 =	vld.idx.msk [tilespmem:v9+s25+$0x0], $0xffff  }
0x9a: {  	v17 =	vld.idx.msk [tilespmem:v3+s20+$0x0], $0xffff;
	[tilespmem:s3+$0x0] =	vst v11  }
0x9b: {  	[tilespmem:s12+$0x0] =	vst v12;
	v11 =	vld.idx.msk [tilespmem:v8+s25+$0x0], $0xffff  }
0x9c: {  	s0 =	sor.u32 s1, s0;
	s19 =	sadd.s32 $0xF880, s8;
	v12 =	vld.idx.msk [tilespmem:v1+s20+$0x0], $0xffff;
	[tilespmem:s14+$0x0] =	vst v14  }
0x9d: {  	[tilespmem:s0+$0x0] =	vst v15;
	v14 =	vld.idx.msk [tilespmem:v2+s20+$0x0], $0xffff;
	s20 =	sor.u32 s9, s19  }
0x9e: {  	s26 =	sor.u32 s7, s19;
	v15 =	vld.idx.msk [tilespmem:v7+s25+$0x0], $0xffff;
	[tilespmem:s20+$0x0] =	vst v16  }
0x9f: {  	s31 =	sor.u32 s2, s4;
	[tilespmem:s26+$0x0] =	vst v17;
	v16 =	vld.idx.msk [tilespmem:v4+s28+$0x0], $0xffff  }
0xa0: {  	s12 =	sor.u32 s10, s19;
	[tilespmem:s31+$0x0] =	vst v11;
	v17 =	vld.idx.msk [tilespmem:v3+s28+$0x0], $0xffff  }
0xa1: {  	s11 =	sor.u32 s1, s13;
	s29 =	simm.s32 $0x90;
	s14 =	sor.u32 s5, s4;
	[tilespmem:s12+$0x0] =	vst v12;
	v20 =	vld.idx.msk [tilespmem:v8+s24+$0x0], $0xffff  }
0xa2: {  	s16 =	sor.u32 s1, s4;
	s1 =	sor.u32 s1, s15;
	s3 =	sor.u32 s6, s19;
	[tilespmem:s14+$0x0] =	vst v18;
	v11 =	vld.idx.msk [tilespmem:v1+s28+$0x0], $0xffff  }
0xa3: {  	s0 =	sor.u32 s5, s15;
	s4 =	sor.u32 s5, s13;
	s20 =	sadd.s32 $0x10080, s8;
	[tilespmem:s3+$0x0] =	vst v14;
	v14 =	vld.idx.msk [tilespmem:v9+s24+$0x0], $0xffff  }
0xa4: {  	s5 =	simm.s32 $0xC0;
	s26 =	simm.s32 $0x80;
	s25 =	sor.u32 s9, s20;
	[tilespmem:s16+$0x0] =	vst v15;
	v13 =	vld.idx.msk [tilespmem:v2+s28+$0x0], $0xffff  }
0xa5: {  	s19 =	sor.u32 s2, s13;
	s31 =	sor.u32 s7, s20;
	v12 =	vmov s26;
	v15 =	vld.idx.msk [tilespmem:v7+s24+$0x0], $0xffff;
	s28 =	simm.s32 $0xA0;
	[tilespmem:s25+$0x0] =	vst v16  }
0xa6: {  	s14 =	sor.u32 s10, s20;
	s3 =	sor.u32 s2, s15;
	v19 =	vsub.s32 v10, v12;
	s2 =	simm.s32 $0xC0A0;
	v21 =	vmov s28;
	v16 =	vmov s29;
	[tilespmem:s31+$0x0] =	vst v17;
	v12 =	vld.idx.msk [tilespmem:v4+s23+$0x0], $0xffff  }
0xa7: {  	s13 =	sor.u32 s6, s20;
	s12 =	simm.s32 $0xB0;
	vm0 =	vgt.s32 v19, $0x0;
	v18 =	vsub.s32 v10, v16;
	v17 =	vsub.s32 v10, v21;
	v16 =	vld [tilespmem:s2+$0x10];
	[tilespmem:s19+$0x0] =	vst v20;
	s19 =	simm.s32 $0x6000  }
.LBB2_3:
0xa8: {  	v20 =	vld [tilespmem:s2+$0xFFFFFFE0];
	v19 =	vnsel vm0, $0x0, v19;
	vm0 =	vgt.s32 v18, $0x0;
	v21 =	vmov s12;
	[tilespmem:s14+$0x0] =	vst v11  }
0xa9: {  	vm1 =	vgt.s32 v17, $0x0;
	v19 =	vmin.u32 v19, $0x7FF;
	v11 =	vsub.s32 v10, v21;
	[tilespmem:s13+$0x0] =	vst v13;
	v22 =	vld [tilespmem:s2+$0xFFFFFFF0]  }
0xaa: {  	s20 =	sadd.s32 $0x10880, s8;
	v17 =	vnsel vm1, $0x0, v17;
	v13 =	vnsel vm0, $0x0, v18;
	v18 =	vld [tilespmem:s2+$0x0];
	vm0 =	vgt.s32 v11, $0x0;
	[tilespmem:s4+$0x0] =	vst v14  }
0xab: {  	s15 =	sor.u32 s9, s20;
	v13 =	vmin.u32 v13, $0x7FF;
	v14 =	vmin.u32 v17, $0x7FF;
	v17 =	vld.idx.msk [tilespmem:v3+s19+$0x0], $0xffff;
	[tilespmem:s11+$0x0] =	vst v15;
	v11 =	vnsel vm0, $0x0, v11  }
0xac: {  	s23 =	sor.u32 s7, s20;
	vm0 =	veq.s32 v5, v16;
	v15 =	vadd.s32 v6, v16;
	v16 =	vld.idx.msk [tilespmem:v1+s19+$0x0], $0xffff;
	[tilespmem:s15+$0x0] =	vst v12;
	v11 =	vmin.u32 v11, $0x7FF  }
0xad: {  	s24 =	sor.u32 s10, s20;
	s25 =	sor.u32 s6, s20;
	s20 =	simm.s32 $0x6C00;
	vm1 =	veq.s32 v5, v20;
	v12 =	vadd.s32 v6, v20;
	v20 =	vld.idx.msk [tilespmem:v2+s19+$0x0], $0xffff;
	v11 =	vsel vm0, v11, v15  }
0xae: {  	s31 =	simm.s32 $0xB400;
	v15 =	vld.idx.msk [tilespmem:v4+s20+$0x0], $0xffff;
	v12 =	vsel vm1, v19, v12;
	vm0 =	veq.s32 v5, v22;
	v19 =	vadd.s32 v6, v22  }
0xaf: {  	v13 =	vsel vm0, v13, v19;
	vm0 =	veq.s32 v5, v18;
	v18 =	vadd.s32 v6, v18;
	v19 =	vld.idx.msk [tilespmem:v8+s31+$0x0], $0xffff  }
0xb0: {  	v14 =	vsel vm0, v14, v18;
	v18 =	vld.idx.msk [tilespmem:v9+s31+$0x0], $0xffff;
	v9 =	vmov v1;
	v1 =	vmov v13  }
0xb1: {  	s15 =	sadd.s32 $0x11080, s8;
	v8 =	vmov v3;
	[tilespmem:s23+$0x0] =	vst v17;
	v13 =	vld.idx.msk [tilespmem:v7+s31+$0x0], $0xffff  }
0xb2: {  	s23 =	sor.u32 s9, s15;
	v7 =	vmov v2;
	[tilespmem:s24+$0x0] =	vst v16;
	v2 =	vmov v14;
	v14 =	vld.idx.msk [tilespmem:v11+s17+$0x0], $0xffff  }
0xb3: {  	v3 =	vmov v12;
	v12 =	vld.idx.msk [tilespmem:v12+s17+$0x0], $0xffff;
	[tilespmem:s23+$0x0] =	vst v15;
	s23 =	simm.s32 $0x7800  }
0xb4: {  	[tilespmem:s25+$0x0] =	vst v20;
	v15 =	vld.idx.msk [tilespmem:v4+s23+$0x0], $0xffff  }
0xb5: {  	[tilespmem:s3+$0x0] =	vst v19;
	v16 =	vld.idx.msk [tilespmem:v1+s17+$0x0], $0xffff  }
0xb6: {  	[tilespmem:s0+$0x0] =	vst v18;
	v18 =	vld.idx.msk [tilespmem:v8+s20+$0x0], $0xffff  }
0xb7: {  	s30 =	sadd.s32 $0x40, s30;
	v17 =	vld.idx.msk [tilespmem:v2+s17+$0x0], $0xffff;
	[tilespmem:s1+$0x0] =	vst v13  }
0xb8: {  	s24 =	sadd.s32 $0x11880, s8;
	[tilespmem:s30+$0x10] =	vst v14;
	v13 =	vld.idx.msk [tilespmem:v9+s20+$0x0], $0xffff  }
0xb9: {  	s25 =	sor.u32 s9, s24;
	[tilespmem:s30+$0xFFFFFFE0] =	vst v12;
	v12 =	vld.idx.msk [tilespmem:v11+s18+$0x0], $0xffff  }
0xba: {  	v14 =	vld.idx.msk [tilespmem:v3+s18+$0x0], $0xffff;
	[tilespmem:s25+$0x0] =	vst v15;
	s25 =	simm.s32 $0x8400  }
0xbb: {  	s29 =	sand.u32 $0x50, s29;
	s28 =	sand.u32 $0x60, s28;
	s12 =	sand.u32 $0x70, s12;
	v15 =	vld.idx.msk [tilespmem:v4+s25+$0x0], $0xffff;
	[tilespmem:s30+$0xFFFFFFF0] =	vst v16  }
0xbc: {  	s13 =	sand.u32 $0x40, s26;
	s19 =	sor.u32 s7, s15;
	s0 =	sand.u32 $0x780, s26;
	v16 =	vld.idx.msk [tilespmem:v1+s18+$0x0], $0xffff;
	[tilespmem:s30+$0x0] =	vst v17  }
0xbd: {  	s16 =	sor.u32 s10, s15;
	s14 =	sor.u32 s6, s15;
	s26 =	sadd.s32 $0xD080, s0;
	[tilespmem:s19+$0x0] =	vst v18;
	v17 =	vld.idx.msk [tilespmem:v2+s18+$0x0], $0xffff  }
0xbe: {  	s4 =	sor.u32 s10, s24;
	s3 =	sor.u32 s6, s24;
	s19 =	sor.u32 s12, s26;
	[tilespmem:s16+$0x0] =	vst v13;
	v13 =	vld.idx.msk [tilespmem:v7+s20+$0x0], $0xffff  }
0xbf: {  	s17 =	sor.u32 s7, s24;
	s24 =	sadd.s32 $0x12080, s8;
	s31 =	sor.u32 s13, s26;
	[tilespmem:s19+$0x0] =	vst v12;
	v12 =	vld.idx.msk [tilespmem:v8+s23+$0x0], $0xffff  }
0xc0: {  	s15 =	sor.u32 s29, s26;
	s11 =	sor.u32 s10, s24;
	[tilespmem:s31+$0x0] =	vst v14;
	s31 =	sor.u32 s9, s24;
	v14 =	vld.idx.msk [tilespmem:v11+s21+$0x0], $0xffff  }
0xc1: {  	s1 =	sor.u32 s6, s24;
	s18 =	sor.u32 s7, s24;
	s24 =	simm.s32 $0x9000;
	v18 =	vld.idx.msk [tilespmem:v3+s21+$0x0], $0xffff;
	[tilespmem:s31+$0x0] =	vst v15  }
0xc2: {  	s20 =	sor.u32 s28, s26;
	v15 =	vld.idx.msk [tilespmem:v4+s24+$0x0], $0xffff;
	[tilespmem:s15+$0x0] =	vst v16  }
0xc3: {  	v16 =	vld.idx.msk [tilespmem:v1+s21+$0x0], $0xffff;
	[tilespmem:s20+$0x0] =	vst v17  }
0xc4: {  	s19 =	sadd.s32 $0xD880, s0;
	[tilespmem:s17+$0x0] =	vst v12;
	v12 =	vld.idx.msk [tilespmem:v9+s23+$0x0], $0xffff  }
0xc5: {  	s26 =	smov.u32 s5;
	s20 =	sor.u32 s13, s19;
	v17 =	vld.idx.msk [tilespmem:v2+s21+$0x0], $0xffff;
	[tilespmem:s14+$0x0] =	vst v13  }
0xc6: {  	[dreg:$0x5] =	wrdreg s26;
	s26 =	sadd.s32 $0x12880, s8;
	s21 =	sor.u32 s12, s19;
	[tilespmem:s20+$0x0] =	vst v18;
	v13 =	vld.idx.msk [tilespmem:v7+s23+$0x0], $0xffff  }
0xc7: {  	s31 =	sor.u32 s9, s26;
	[tilespmem:s21+$0x0] =	vst v14;
	v18 =	vld.idx.msk [tilespmem:v3+s22+$0x0], $0xffff  }
0xc8: {  	s16 =	sor.u32 s29, s19;
	v14 =	vld.idx.msk [tilespmem:v11+s22+$0x0], $0xffff;
	[tilespmem:s31+$0x0] =	vst v15;
	s31 =	simm.s32 $0x9C00  }
0xc9: {  	s17 =	sor.u32 s28, s19;
	v15 =	vld.idx.msk [tilespmem:v4+s31+$0x0], $0xffff;
	[tilespmem:s16+$0x0] =	vst v16  }
0xca: {  	v16 =	vld.idx.msk [tilespmem:v1+s22+$0x0], $0xffff;
	[tilespmem:s17+$0x0] =	vst v17  }
0xcb: {  	s15 =	sor.u32 s10, s26;
	s23 =	sadd.s32 $0xE080, s0;
	[tilespmem:s4+$0x0] =	vst v12;
	v12 =	vld.idx.msk [tilespmem:v8+s25+$0x0], $0xffff  }
0xcc: {  	s20 =	sor.u32 s7, s26;
	s14 =	sor.u32 s6, s26;
	s26 =	sor.u32 s13, s23;
	v17 =	vld.idx.msk [tilespmem:v2+s22+$0x0], $0xffff;
	[tilespmem:s3+$0x0] =	vst v13  }
0xcd: {  	s21 =	sor.u32 s29, s23;
	s19 =	sor.u32 s12, s23;
	s22 =	sadd.s32 $0x13080, s8;
	[tilespmem:s26+$0x0] =	vst v18  }
0xce: {  	s3 =	sor.u32 s28, s23;
	v13 =	vld.idx.msk [tilespmem:v9+s25+$0x0], $0xffff;
	s23 =	simm.s32 $0x3000;
	[tilespmem:s19+$0x0] =	vst v14;
	s26 =	sor.u32 s9, s22  }
0xcf: {  	v14 =	vld.idx.msk [tilespmem:v11+s23+$0x0], $0xffff;
	[tilespmem:s26+$0x0] =	vst v15  }
0xd0: {  	v18 =	vld.idx.msk [tilespmem:v3+s23+$0x0], $0xffff;
	s26 =	simm.s32 $0xA800;
	[tilespmem:s21+$0x0] =	vst v16  }
0xd1: {  	v15 =	vld.idx.msk [tilespmem:v4+s26+$0x0], $0xffff;
	[tilespmem:s18+$0x0] =	vst v12  }
0xd2: {  	v16 =	vld.idx.msk [tilespmem:v1+s23+$0x0], $0xffff;
	[tilespmem:s3+$0x0] =	vst v17  }
0xd3: {  	s19 =	sor.u32 s7, s22;
	s3 =	sadd.s32 $0xE880, s0;
	[tilespmem:s11+$0x0] =	vst v13;
	v13 =	vld.idx.msk [tilespmem:v8+s24+$0x0], $0xffff  }
0xd4: {  	s17 =	sor.u32 s10, s22;
	s16 =	sor.u32 s6, s22;
	v17 =	vld.idx.msk [tilespmem:v2+s23+$0x0], $0xffff;
	s23 =	sor.u32 s12, s3  }
0xd5: {  	s22 =	sadd.s32 $0x13880, s8;
	s4 =	sor.u32 s13, s3;
	v12 =	vld.idx.msk [tilespmem:v7+s25+$0x0], $0xffff;
	[tilespmem:s23+$0x0] =	vst v14;
	s23 =	simm.s32 $0x3C00  }
0xd6: {  	s25 =	sor.u32 s9, s22;
	[tilespmem:s4+$0x0] =	vst v18;
	v14 =	vld.idx.msk [tilespmem:v11+s23+$0x0], $0xffff  }
0xd7: {  	s21 =	sor.u32 s29, s3;
	v18 =	vld.idx.msk [tilespmem:v3+s23+$0x0], $0xffff;
	[tilespmem:s25+$0x0] =	vst v15;
	s25 =	simm.s32 $0xB400  }
0xd8: {  	s3 =	sor.u32 s28, s3;
	v15 =	vld.idx.msk [tilespmem:v4+s25+$0x0], $0xffff;
	v4 =	vmov v11;
	[tilespmem:s21+$0x0] =	vst v16  }
0xd9: {  	s18 =	sor.u32 s7, s22;
	v11 =	vld.idx.msk [tilespmem:v1+s23+$0x0], $0xffff;
	[tilespmem:s3+$0x0] =	vst v17  }
0xda: {  	s11 =	sor.u32 s6, s22;
	s4 =	sor.u32 s10, s22;
	s22 =	sadd.s32 $0xF080, s0;
	[tilespmem:s20+$0x0] =	vst v13;
	v16 =	vld.idx.msk [tilespmem:v2+s23+$0x0], $0xffff  }
0xdb: {  	s25 =	sor.u32 s12, s22;
	[tilespmem:s1+$0x0] =	vst v12;
	v12 =	vld.idx.msk [tilespmem:v9+s24+$0x0], $0xffff  }
0xdc: {  	s1 =	sor.u32 s13, s22;
	s23 =	sadd.s32 $0x14080, s8;
	[tilespmem:s25+$0x0] =	vst v14;
	v13 =	vld.idx.msk [tilespmem:v7+s24+$0x0], $0xffff;
	s25 =	simm.s32 $0x4800  }
0xdd: {  	s8 =	smov.u32 s0;
	[tilespmem:s1+$0x0] =	vst v18;
	s0 =	sor.u32 s10, s23;
	s10 =	sor.u32 s9, s23;
	v14 =	vld.idx.msk [tilespmem:v4+s25+$0x0], $0xffff  }
0xde: {  	s21 =	sor.u32 s29, s22;
	v17 =	vld.idx.msk [tilespmem:v3+s25+$0x0], $0xffff;
	[tilespmem:s10+$0x0] =	vst v15  }
0xdf: {  	s20 =	sor.u32 s28, s22;
	[tilespmem:s21+$0x0] =	vst v11;
	v11 =	vld.idx.msk [tilespmem:v8+s31+$0x0], $0xffff  }
0xe0: {  	v15 =	vld.idx.msk [tilespmem:v1+s25+$0x0], $0xffff;
	[tilespmem:s20+$0x0] =	vst v16  }
0xe1: {  	s3 =	sor.u32 s7, s23;
	s9 =	smov.u32 s12;
	s24 =	sadd.s32 $0xF880, s8;
	[tilespmem:s15+$0x0] =	vst v12;
	v16 =	vld.idx.msk [tilespmem:v2+s25+$0x0], $0xffff  }
0xe2: {  	s1 =	sor.u32 s6, s23;
	s7 =	smov.u32 s13;
	s23 =	sor.u32 s9, s24;
	v12 =	vld.idx.msk [tilespmem:v9+s31+$0x0], $0xffff;
	[tilespmem:s14+$0x0] =	vst v13  }
0xe3: {  	s13 =	sor.u32 s7, s24;
	s20 =	simm.s32 $0x5400;
	[tilespmem:s23+$0x0] =	vst v14;
	v18 =	vld.idx.msk [tilespmem:v7+s31+$0x0], $0xffff  }
0xe4: {  	s10 =	smov.u32 s29;
	[tilespmem:s13+$0x0] =	vst v17;
	v17 =	vld.idx.msk [tilespmem:v4+s20+$0x0], $0xffff  }
0xe5: {  	s6 =	smov.u32 s28;
	s25 =	sor.u32 s10, s24;
	v20 =	vld.idx.msk [tilespmem:v3+s20+$0x0], $0xffff;
	[tilespmem:s19+$0x0] =	vst v11  }
0xe6: {  	s12 =	sor.u32 s6, s24;
	[tilespmem:s25+$0x0] =	vst v15;
	v63 =	vld.idx.msk [tilespmem:v8+s26+$0x0], $0xffff  }
0xe7: {  	p1 =	slt.u32 s5, $0x7C0;
	s2 =	sadd.s32 $0x40, s2;
	s22 =	simm.s32 $0x2400;
	v11 =	vld.idx.msk [tilespmem:v1+s20+$0x0], $0xffff;
	[tilespmem:s12+$0x0] =	vst v16  }
.Ltmp0:
0xe8: {  	s28 =	sadd.s32 $0x20, s5;
	s24 =	sadd.s32 $0x10080, s8;
	[tilespmem:s17+$0x0] =	vst v12;
	v13 =	vld.idx.msk [tilespmem:v2+s20+$0x0], $0xffff;
	(pc) =	sbr.rel @p1 .LBB2_3-.Ltmp0, $4  }
0xe9: {  	s29 =	sadd.s32 $0x10, s5;
	s21 =	simm.s32 $0x1800;
	s31 =	sor.u32 s9, s24;
	v14 =	vld.idx.msk [tilespmem:v9+s26+$0x0], $0xffff;
	[tilespmem:s16+$0x0] =	vst v18  }
0xea: {  	s14 =	sor.u32 s10, s24;
	s19 =	simm.s32 $0x6000;
	s25 =	sor.u32 s7, s24;
	v12 =	vmov s5;
	[tilespmem:s31+$0x0] =	vst v17;
	v15 =	vld.idx.msk [tilespmem:v7+s26+$0x0], $0xffff  }
0xeb: {  	s13 =	sor.u32 s6, s24;
	s17 =	simm.s32 $0x0;
	v16 =	vmov s29;
	v19 =	vsub.s32 v10, v12;
	s26 =	rddreg [dreg:$0x5];
	v17 =	vmov s28;
	[tilespmem:s25+$0x0] =	vst v20;
	v12 =	vld.idx.msk [tilespmem:v4+s19+$0x0], $0xffff  }
0xec: {  	s5 =	sadd.s32 $0x40, s5;
	v18 =	vsub.s32 v10, v16;
	vm0 =	vgt.s32 v19, $0x0;
	v17 =	vsub.s32 v10, v17;
	s12 =	sadd.s32 $0x30, s26;
	v16 =	vld [tilespmem:s2+$0x10];
	[tilespmem:s18+$0x0] =	vst v63;
	s18 =	simm.s32 $0xC00  }
0xed: {  	v20 =	vld [tilespmem:s2+$0xFFFFFFE0];
	v19 =	vnsel vm0, $0x0, v19;
	vm0 =	vgt.s32 v18, $0x0;
	v21 =	vmov s12  }
0xee: {  	v22 =	vld [tilespmem:s2+$0xFFFFFFF0];
	vm1 =	vgt.s32 v17, $0x0;
	v19 =	vmin.u32 v19, $0x7FF;
	v10 =	vsub.s32 v10, v21  }
0xef: {  	v62 =	vld [tilespmem:s2+$0x0];
	v18 =	vnsel vm0, $0x0, v18;
	v17 =	vnsel vm1, $0x0, v17;
	vm0 =	vgt.s32 v10, $0x0  }
0xf0: {  	[tilespmem:s14+$0x0] =	vst v11;
	v18 =	vmin.u32 v18, $0x7FF;
	v17 =	vmin.u32 v17, $0x7FF;
	v10 =	vnsel vm0, $0x0, v10  }
0xf1: {  	s25 =	sadd.s32 $0x10880, s8;
	[tilespmem:s13+$0x0] =	vst v13;
	v10 =	vmin.u32 v10, $0x7FF;
	vm0 =	veq.s32 v5, v16;
	v11 =	vadd.s32 v6, v16  }
0xf2: {  	s5 =	sor.u32 s9, s25;
	v13 =	vld.idx.msk [tilespmem:v2+s19+$0x0], $0xffff;
	v10 =	vsel vm0, v10, v11;
	vm0 =	veq.s32 v5, v20;
	v11 =	vadd.s32 v6, v20  }
0xf3: {  	[tilespmem:s5+$0x0] =	vst v12;
	v20 =	vadd.s32 v6, v22;
	v11 =	vsel vm0, v19, v11;
	vm0 =	veq.s32 v5, v22  }
0xf4: {  	s13 =	simm.s32 $0x6C00;
	v16 =	vld.idx.msk [tilespmem:v3+s19+$0x0], $0xffff;
	v12 =	vsel vm0, v18, v20;
	vm0 =	veq.s32 v5, v62;
	v5 =	vadd.s32 v6, v62  }
0xf5: {  	s31 =	simm.s32 $0xB400;
	v6 =	vld.idx.msk [tilespmem:v4+s13+$0x0], $0xffff;
	v5 =	vsel vm0, v17, v5  }
0xf6: {  	[tilespmem:s4+$0x0] =	vst v14;
	v8 =	vld.idx.msk [tilespmem:v8+s31+$0x0], $0xffff  }
0xf7: {  	s2 =	sor.u32 s6, s25;
	[tilespmem:s11+$0x0] =	vst v15;
	v14 =	vld.idx.msk [tilespmem:v10+s17+$0x0], $0xffff  }
0xf8: {  	s14 =	sor.u32 s7, s25;
	s4 =	sadd.s32 $0x11080, s8;
	[tilespmem:s2+$0x0] =	vst v13;
	v15 =	vld.idx.msk [tilespmem:v11+s17+$0x0], $0xffff  }
0xf9: {  	s16 =	sor.u32 s9, s4;
	[tilespmem:s14+$0x0] =	vst v16;
	v16 =	vld.idx.msk [tilespmem:v12+s17+$0x0], $0xffff  }
0xfa: {  	[tilespmem:s16+$0x0] =	vst v6;
	v6 =	vld.idx.msk [tilespmem:v5+s17+$0x0], $0xffff  }
0xfb: {  	s23 =	sadd.s32 $0x40, s30;
	v9 =	vld.idx.msk [tilespmem:v9+s31+$0x0], $0xffff;
	[tilespmem:s3+$0x0] =	vst v8  }
0xfc: {  	v19 =	vld.idx.msk [tilespmem:v1+s19+$0x0], $0xffff;
	[tilespmem:s23+$0x10] =	vst v14  }
0xfd: {  	[tilespmem:s23+$0xFFFFFFE0] =	vst v15;
	v13 =	vld.idx.msk [tilespmem:v10+s18+$0x0], $0xffff  }
0xfe: {  	v14 =	vld.idx.msk [tilespmem:v11+s18+$0x0], $0xffff;
	[tilespmem:s23+$0xFFFFFFF0] =	vst v16  }
0xff: {  	s2 =	sand.u32 $0x780, s26;
	v15 =	vld.idx.msk [tilespmem:v12+s18+$0x0], $0xffff;
	[tilespmem:s23+$0x0] =	vst v6  }
0x100: {  	s15 =	sor.u32 s10, s25;
	s3 =	sand.u32 $0x70, s12;
	s24 =	sadd.s32 $0xD080, s2;
	[tilespmem:s0+$0x0] =	vst v9;
	v6 =	vld.idx.msk [tilespmem:v5+s18+$0x0], $0xffff  }
0x101: {  	s25 =	simm.s32 $0x7800;
	s11 =	sand.u32 $0x40, s26;
	v7 =	vld.idx.msk [tilespmem:v7+s31+$0x0], $0xffff;
	s14 =	sor.u32 s3, s24;
	[tilespmem:s15+$0x0] =	vst v19  }
0x102: {  	s30 =	sand.u32 $0x50, s29;
	s15 =	sor.u32 s11, s24;
	v8 =	vld.idx.msk [tilespmem:v4+s25+$0x0], $0xffff;
	[tilespmem:s14+$0x0] =	vst v13  }
0x103: {  	s5 =	sand.u32 $0x60, s28;
	s16 =	sor.u32 s30, s24;
	[tilespmem:s15+$0x0] =	vst v14;
	v9 =	vld.idx.msk [tilespmem:v10+s21+$0x0], $0xffff  }
0x104: {  	s23 =	sor.u32 s5, s24;
	v13 =	vld.idx.msk [tilespmem:v11+s21+$0x0], $0xffff;
	[tilespmem:s16+$0x0] =	vst v15  }
0x105: {  	s13 =	sadd.s32 $0x11880, s8;
	v14 =	vld.idx.msk [tilespmem:v12+s21+$0x0], $0xffff;
	[tilespmem:s23+$0x0] =	vst v6  }
0x106: {  	s26 =	sadd.s32 $0xD880, s2;
	[tilespmem:s1+$0x0] =	vst v7;
	s24 =	sor.u32 s9, s13;
	s15 =	simm.s32 $0x6C00;
	v6 =	vld.idx.msk [tilespmem:v5+s21+$0x0], $0xffff  }
0x107: {  	[tilespmem:s24+$0x0] =	vst v8;
	v7 =	vld.idx.msk [tilespmem:v3+s15+$0x0], $0xffff;
	s16 =	sor.u32 s3, s26  }
0x108: {  	v8 =	vld.idx.msk [tilespmem:v1+s15+$0x0], $0xffff;
	s23 =	sor.u32 s11, s26;
	[tilespmem:s16+$0x0] =	vst v9  }
0x109: {  	s24 =	sor.u32 s30, s26;
	[tilespmem:s23+$0x0] =	vst v13;
	v9 =	vld.idx.msk [tilespmem:v10+s22+$0x0], $0xffff  }
0x10a: {  	s1 =	sor.u32 s5, s26;
	v13 =	vld.idx.msk [tilespmem:v11+s22+$0x0], $0xffff;
	[tilespmem:s24+$0x0] =	vst v14  }
0x10b: {  	s26 =	sor.u32 s7, s4;
	v14 =	vld.idx.msk [tilespmem:v12+s22+$0x0], $0xffff;
	[tilespmem:s1+$0x0] =	vst v6  }
0x10c: {  	s28 =	simm.s32 $0x8400;
	s12 =	sor.u32 s10, s4;
	s15 =	sadd.s32 $0xE080, s2;
	[tilespmem:s26+$0x0] =	vst v7;
	v6 =	vld.idx.msk [tilespmem:v5+s22+$0x0], $0xffff  }
0x10d: {  	s14 =	simm.s32 $0x6C00;
	s16 =	sor.u32 s3, s15;
	v7 =	vld.idx.msk [tilespmem:v4+s28+$0x0], $0xffff;
	[tilespmem:s12+$0x0] =	vst v8  }
0x10e: {  	s29 =	simm.s32 $0x3000;
	v8 =	vld.idx.msk [tilespmem:v2+s14+$0x0], $0xffff;
	s23 =	sor.u32 s11, s15;
	[tilespmem:s16+$0x0] =	vst v9  }
0x10f: {  	s24 =	sor.u32 s30, s15;
	[tilespmem:s23+$0x0] =	vst v13;
	v9 =	vld.idx.msk [tilespmem:v10+s29+$0x0], $0xffff  }
0x110: {  	s0 =	sor.u32 s5, s15;
	s12 =	sadd.s32 $0x12080, s8;
	v13 =	vld.idx.msk [tilespmem:v11+s29+$0x0], $0xffff;
	[tilespmem:s24+$0x0] =	vst v14  }
0x111: {  	s26 =	sor.u32 s9, s12;
	v14 =	vld.idx.msk [tilespmem:v12+s29+$0x0], $0xffff;
	[tilespmem:s0+$0x0] =	vst v6  }
0x112: {  	s4 =	sor.u32 s6, s4;
	s14 =	sadd.s32 $0xE880, s2;
	[tilespmem:s26+$0x0] =	vst v7;
	v6 =	vld.idx.msk [tilespmem:v5+s29+$0x0], $0xffff  }
0x113: {  	v7 =	vld.idx.msk [tilespmem:v3+s25+$0x0], $0xffff;
	[tilespmem:s4+$0x0] =	vst v8;
	s16 =	sor.u32 s3, s14;
	s23 =	simm.s32 $0x9000  }
0x114: {  	v8 =	vld.idx.msk [tilespmem:v4+s23+$0x0], $0xffff;
	s24 =	sor.u32 s11, s14;
	s23 =	simm.s32 $0x3C00;
	[tilespmem:s16+$0x0] =	vst v9  }
0x115: {  	s26 =	sor.u32 s30, s14;
	[tilespmem:s24+$0x0] =	vst v13;
	v9 =	vld.idx.msk [tilespmem:v10+s23+$0x0], $0xffff  }
0x116: {  	s1 =	sor.u32 s5, s14;
	v13 =	vld.idx.msk [tilespmem:v11+s23+$0x0], $0xffff;
	[tilespmem:s26+$0x0] =	vst v14  }
0x117: {  	s0 =	sor.u32 s7, s13;
	s16 =	sadd.s32 $0x12880, s8;
	v14 =	vld.idx.msk [tilespmem:v12+s23+$0x0], $0xffff;
	[tilespmem:s1+$0x0] =	vst v6  }
0x118: {  	s4 =	sadd.s32 $0xF080, s2;
	[tilespmem:s0+$0x0] =	vst v7;
	s14 =	sor.u32 s9, s16;
	v6 =	vld.idx.msk [tilespmem:v5+s23+$0x0], $0xffff  }
0x119: {  	v7 =	vld.idx.msk [tilespmem:v1+s25+$0x0], $0xffff;
	s24 =	sor.u32 s3, s4;
	[tilespmem:s14+$0x0] =	vst v8  }
0x11a: {  	v8 =	vld.idx.msk [tilespmem:v2+s25+$0x0], $0xffff;
	s26 =	sor.u32 s11, s4;
	[tilespmem:s24+$0x0] =	vst v9;
	s24 =	simm.s32 $0x4800  }
0x11b: {  	s0 =	sor.u32 s30, s4;
	[tilespmem:s26+$0x0] =	vst v13;
	v9 =	vld.idx.msk [tilespmem:v10+s24+$0x0], $0xffff  }
0x11c: {  	s4 =	sor.u32 s5, s4;
	v13 =	vld.idx.msk [tilespmem:v11+s24+$0x0], $0xffff;
	[tilespmem:s0+$0x0] =	vst v14  }
0x11d: {  	s26 =	sor.u32 s10, s13;
	v14 =	vld.idx.msk [tilespmem:v12+s24+$0x0], $0xffff;
	[tilespmem:s4+$0x0] =	vst v6  }
0x11e: {  	s1 =	sadd.s32 $0xF880, s2;
	s0 =	sor.u32 s6, s13;
	[tilespmem:s26+$0x0] =	vst v7;
	s26 =	simm.s32 $0x9C00;
	v6 =	vld.idx.msk [tilespmem:v5+s24+$0x0], $0xffff  }
0x11f: {  	s13 =	sor.u32 s3, s1;
	v7 =	vld.idx.msk [tilespmem:v4+s26+$0x0], $0xffff;
	[tilespmem:s0+$0x0] =	vst v8  }
0x120: {  	s14 =	sor.u32 s11, s1;
	v8 =	vld.idx.msk [tilespmem:v3+s28+$0x0], $0xffff;
	[tilespmem:s13+$0x0] =	vst v9  }
0x121: {  	s0 =	sor.u32 s30, s1;
	[tilespmem:s14+$0x0] =	vst v13;
	v9 =	vld.idx.msk [tilespmem:v10+s20+$0x0], $0xffff  }
0x122: {  	s4 =	sadd.s32 $0x13080, s8;
	s1 =	sor.u32 s5, s1;
	v13 =	vld.idx.msk [tilespmem:v11+s20+$0x0], $0xffff;
	[tilespmem:s0+$0x0] =	vst v14  }
0x123: {  	s14 =	sor.u32 s9, s4;
	v14 =	vld.idx.msk [tilespmem:v12+s20+$0x0], $0xffff;
	[tilespmem:s1+$0x0] =	vst v6  }
0x124: {  	s13 =	sadd.s32 $0x10080, s2;
	s0 =	sor.u32 s7, s12;
	[tilespmem:s14+$0x0] =	vst v7;
	v6 =	vld.idx.msk [tilespmem:v5+s20+$0x0], $0xffff  }
0x125: {  	v7 =	vld.idx.msk [tilespmem:v1+s28+$0x0], $0xffff;
	s14 =	simm.s32 $0xA800;
	[tilespmem:s0+$0x0] =	vst v8;
	s1 =	sor.u32 s3, s13  }
0x126: {  	v8 =	vld.idx.msk [tilespmem:v4+s14+$0x0], $0xffff;
	s14 =	sor.u32 s11, s13;
	[tilespmem:s1+$0x0] =	vst v9  }
0x127: {  	s0 =	sor.u32 s30, s13;
	[tilespmem:s14+$0x0] =	vst v13;
	v9 =	vld.idx.msk [tilespmem:v10+s19+$0x0], $0xffff  }
0x128: {  	s13 =	sor.u32 s5, s13;
	[tilespmem:s0+$0x0] =	vst v14;
	v13 =	vld.idx.msk [tilespmem:v11+s19+$0x0], $0xffff  }
0x129: {  	s1 =	sadd.s32 $0x13880, s8;
	s0 =	sor.u32 s10, s12;
	[tilespmem:s13+$0x0] =	vst v6;
	v6 =	vld.idx.msk [tilespmem:v12+s19+$0x0], $0xffff  }
0x12a: {  	s14 =	sadd.s32 $0x10880, s2;
	[tilespmem:s0+$0x0] =	vst v7;
	s0 =	sor.u32 s9, s1;
	v7 =	vld.idx.msk [tilespmem:v5+s19+$0x0], $0xffff  }
0x12b: {  	s15 =	simm.s32 $0x9000;
	v14 =	vld.idx.msk [tilespmem:v2+s28+$0x0], $0xffff;
	[tilespmem:s0+$0x0] =	vst v8;
	s0 =	sor.u32 s3, s14  }
0x12c: {  	v8 =	vld.idx.msk [tilespmem:v3+s15+$0x0], $0xffff;
	s15 =	sor.u32 s11, s14;
	[tilespmem:s0+$0x0] =	vst v9;
	s0 =	simm.s32 $0x6C00  }
0x12d: {  	s13 =	sor.u32 s30, s14;
	v9 =	vld.idx.msk [tilespmem:v10+s0+$0x0], $0xffff;
	[tilespmem:s15+$0x0] =	vst v13  }
0x12e: {  	s14 =	sor.u32 s5, s14;
	[tilespmem:s13+$0x0] =	vst v6;
	v6 =	vld.idx.msk [tilespmem:v11+s0+$0x0], $0xffff  }
0x12f: {  	s12 =	sor.u32 s6, s12;
	[tilespmem:s14+$0x0] =	vst v7;
	v7 =	vld.idx.msk [tilespmem:v12+s0+$0x0], $0xffff  }
0x130: {  	s15 =	sor.u32 s7, s16;
	[tilespmem:s12+$0x0] =	vst v14;
	s12 =	sadd.s32 $0x11080, s2;
	v13 =	vld.idx.msk [tilespmem:v5+s0+$0x0], $0xffff  }
0x131: {  	v4 =	vld.idx.msk [tilespmem:v4+s31+$0x0], $0xffff;
	[tilespmem:s15+$0x0] =	vst v8;
	s15 =	simm.s32 $0x9000;
	s0 =	sor.u32 s3, s12  }
0x132: {  	s14 =	sor.u32 s11, s12;
	v8 =	vld.idx.msk [tilespmem:v1+s15+$0x0], $0xffff;
	[tilespmem:s0+$0x0] =	vst v9  }
0x133: {  	s0 =	sor.u32 s30, s12;
	v9 =	vld.idx.msk [tilespmem:v10+s25+$0x0], $0xffff;
	[tilespmem:s14+$0x0] =	vst v6  }
0x134: {  	s8 =	sadd.s32 $0x14080, s8;
	s12 =	sor.u32 s5, s12;
	[tilespmem:s0+$0x0] =	vst v7;
	v6 =	vld.idx.msk [tilespmem:v11+s25+$0x0], $0xffff  }
0x135: {  	s0 =	sor.u32 s9, s8;
	[tilespmem:s12+$0x0] =	vst v13;
	v7 =	vld.idx.msk [tilespmem:v12+s25+$0x0], $0xffff  }
0x136: {  	s13 =	sor.u32 s10, s16;
	s9 =	sadd.s32 $0x11880, s2;
	[tilespmem:s0+$0x0] =	vst v4;
	v4 =	vld.idx.msk [tilespmem:v5+s25+$0x0], $0xffff  }
0x137: {  	v13 =	vld.idx.msk [tilespmem:v2+s15+$0x0], $0xffff;
	[tilespmem:s13+$0x0] =	vst v8;
	s14 =	sor.u32 s3, s9  }
0x138: {  	v8 =	vld.idx.msk [tilespmem:v3+s26+$0x0], $0xffff;
	s0 =	sor.u32 s11, s9;
	[tilespmem:s14+$0x0] =	vst v9  }
0x139: {  	s14 =	sor.u32 s30, s9;
	v9 =	vld.idx.msk [tilespmem:v10+s28+$0x0], $0xffff;
	[tilespmem:s0+$0x0] =	vst v6  }
0x13a: {  	s9 =	sor.u32 s5, s9;
	[tilespmem:s14+$0x0] =	vst v7;
	v6 =	vld.idx.msk [tilespmem:v11+s28+$0x0], $0xffff  }
0x13b: {  	s16 =	sor.u32 s6, s16;
	[tilespmem:s9+$0x0] =	vst v4;
	v4 =	vld.idx.msk [tilespmem:v12+s28+$0x0], $0xffff  }
0x13c: {  	s12 =	sor.u32 s7, s4;
	s0 =	sadd.s32 $0x12080, s2;
	[tilespmem:s16+$0x0] =	vst v13;
	v7 =	vld.idx.msk [tilespmem:v5+s28+$0x0], $0xffff  }
0x13d: {  	v13 =	vld.idx.msk [tilespmem:v1+s26+$0x0], $0xffff;
	[tilespmem:s12+$0x0] =	vst v8;
	s13 =	sor.u32 s3, s0  }
0x13e: {  	s14 =	sor.u32 s11, s0;
	v8 =	vld.idx.msk [tilespmem:v2+s26+$0x0], $0xffff;
	[tilespmem:s13+$0x0] =	vst v9  }
0x13f: {  	s16 =	sor.u32 s30, s0;
	v9 =	vld.idx.msk [tilespmem:v10+s15+$0x0], $0xffff;
	[tilespmem:s14+$0x0] =	vst v6  }
0x140: {  	s0 =	sor.u32 s5, s0;
	[tilespmem:s16+$0x0] =	vst v4;
	v4 =	vld.idx.msk [tilespmem:v11+s15+$0x0], $0xffff  }
0x141: {  	s13 =	sor.u32 s10, s4;
	[tilespmem:s0+$0x0] =	vst v7;
	v6 =	vld.idx.msk [tilespmem:v12+s15+$0x0], $0xffff  }
0x142: {  	s12 =	simm.s32 $0xA800;
	s14 =	sor.u32 s6, s4;
	[tilespmem:s13+$0x0] =	vst v13;
	s16 =	sadd.s32 $0x12880, s2;
	v7 =	vld.idx.msk [tilespmem:v5+s15+$0x0], $0xffff  }
0x143: {  	v13 =	vld.idx.msk [tilespmem:v3+s12+$0x0], $0xffff;
	[tilespmem:s14+$0x0] =	vst v8;
	s13 =	sor.u32 s3, s16  }
0x144: {  	v8 =	vld.idx.msk [tilespmem:v1+s12+$0x0], $0xffff;
	s14 =	sor.u32 s11, s16;
	[tilespmem:s13+$0x0] =	vst v9  }
0x145: {  	s15 =	sor.u32 s30, s16;
	v9 =	vld.idx.msk [tilespmem:v10+s26+$0x0], $0xffff;
	[tilespmem:s14+$0x0] =	vst v4  }
0x146: {  	s4 =	sor.u32 s5, s16;
	v4 =	vld.idx.msk [tilespmem:v11+s26+$0x0], $0xffff;
	[tilespmem:s15+$0x0] =	vst v6  }
0x147: {  	s16 =	sor.u32 s7, s1;
	v6 =	vld.idx.msk [tilespmem:v12+s26+$0x0], $0xffff;
	[tilespmem:s4+$0x0] =	vst v7  }
0x148: {  	s9 =	sor.u32 s10, s1;
	[tilespmem:s16+$0x0] =	vst v13;
	s13 =	sadd.s32 $0x13080, s2;
	v7 =	vld.idx.msk [tilespmem:v5+s26+$0x0], $0xffff  }
0x149: {  	v13 =	vld.idx.msk [tilespmem:v2+s12+$0x0], $0xffff;
	[tilespmem:s9+$0x0] =	vst v8;
	s14 =	sor.u32 s3, s13  }
0x14a: {  	v3 =	vld.idx.msk [tilespmem:v3+s31+$0x0], $0xffff;
	s15 =	sor.u32 s11, s13;
	[tilespmem:s14+$0x0] =	vst v9  }
0x14b: {  	s16 =	sor.u32 s30, s13;
	v8 =	vld.idx.msk [tilespmem:v10+s12+$0x0], $0xffff;
	[tilespmem:s15+$0x0] =	vst v4  }
0x14c: {  	s0 =	sor.u32 s5, s13;
	v4 =	vld.idx.msk [tilespmem:v11+s12+$0x0], $0xffff;
	[tilespmem:s16+$0x0] =	vst v6  }
0x14d: {  	s1 =	sor.u32 s6, s1;
	v6 =	vld.idx.msk [tilespmem:v12+s12+$0x0], $0xffff;
	[tilespmem:s0+$0x0] =	vst v7  }
0x14e: {  	s7 =	sor.u32 s7, s8;
	s9 =	sadd.s32 $0x13880, s2;
	[tilespmem:s1+$0x0] =	vst v13;
	v7 =	vld.idx.msk [tilespmem:v5+s12+$0x0], $0xffff;
	s12 =	simm.s32 $0xB400  }
0x14f: {  	s13 =	sor.u32 s3, s9;
	[tilespmem:s7+$0x0] =	vst v3;
	v1 =	vld.idx.msk [tilespmem:v1+s12+$0x0], $0xffff  }
0x150: {  	s14 =	sor.u32 s11, s9;
	v2 =	vld.idx.msk [tilespmem:v2+s12+$0x0], $0xffff;
	[tilespmem:s13+$0x0] =	vst v8  }
0x151: {  	s15 =	sor.u32 s30, s9;
	v3 =	vld.idx.msk [tilespmem:v10+s12+$0x0], $0xffff;
	[tilespmem:s14+$0x0] =	vst v4  }
0x152: {  	s1 =	sor.u32 s5, s9;
	[tilespmem:s15+$0x0] =	vst v6;
	v4 =	vld.idx.msk [tilespmem:v11+s12+$0x0], $0xffff  }
0x153: {  	s4 =	sor.u32 s10, s8;
	[tilespmem:s1+$0x0] =	vst v7  }
0x154: {  	s8 =	sor.u32 s6, s8;
	s9 =	sadd.s32 $0x14080, s2;
	[tilespmem:s4+$0x0] =	vst v1  }
0x155: {  	s10 =	sor.u32 s3, s9;
	v6 =	vld.idx.msk [tilespmem:v12+s12+$0x0], $0xffff;
	[tilespmem:s8+$0x0] =	vst v2  }
0x156: {  	s2 =	sor.u32 s11, s9;
	s15 =	rddreg [dreg:$0x3];
	v1 =	vld.idx.msk [tilespmem:v5+s12+$0x0], $0xffff;
	[tilespmem:s10+$0x0] =	vst v3  }
0x157: {  	s1 =	rddreg [dreg:$0xb];
	[tilespmem:s2+$0x0] =	vst v4  }
0x158: {  	s3 =	simm.s32 $0x400;
	s1 =	sshll.u32 s1, $0x5;
	s6 =	rddreg [dreg:$0xd]  }
0x159: {  	s12 =	sor.u32 s30, s9;
	s13 =	sshll.u32 s6, $0x8;
	s1 =	sand.u32 $0x60, s1  }
0x15a: {  	s0 =	sor.u32 s5, s9;
	[tilespmem:s12+$0x0] =	vst v6;
	s14 =	sand.u32 $0x7F800, s13;
	s1 =	sadd.s32 s15, s1  }
0x15b: {  	s4 =	simm.s32 $0xC880;
	s2 =	simm.s32 $0x80;
	[tilespmem:s0+$0x0] =	vst v1;
	s0 =	sadd.s32 s14, s1  }
0x15c: {  	[hbm4b:s0+s2] =	stream.strided.scatter [tilespmem:s4], [sflag:$0x1], $0x800, s3, s2, $0x38;
	[tilespmem:$0x1C880] =	vst v63  }
0x15d: {  	s7 =	simm.s32 $0xD080;
	s5 =	sadd.s32 $0x80000, s0  }
0x15e: {  	[hbm4b:s5+s2] =	stream.strided.scatter [tilespmem:s7], [sflag:$0x1], $0x800, s3, s2, $0x38;
	[tilespmem:$0x1C880] =	vst v63  }
0x15f: {  	s9 =	simm.s32 $0xD880;
	s8 =	sadd.s32 $0x100000, s0  }
0x160: {  	[hbm4b:s8+s2] =	stream.strided.scatter [tilespmem:s9], [sflag:$0x1], $0x800, s3, s2, $0x38;
	[tilespmem:$0x1C880] =	vst v63  }
0x161: {  	s11 =	simm.s32 $0xE080;
	s10 =	sadd.s32 $0x180000, s0  }
0x162: {  	[hbm4b:s10+s2] =	stream.strided.scatter [tilespmem:s11], [sflag:$0x1], $0x800, s3, s2, $0x38;
	[tilespmem:$0x1C880] =	vst v63  }
0x163: {  	s13 =	simm.s32 $0xE880;
	s12 =	sadd.s32 $0x200000, s0  }
0x164: {  	[hbm4b:s12+s2] =	stream.strided.scatter [tilespmem:s13], [sflag:$0x1], $0x800, s3, s2, $0x38;
	[tilespmem:$0x1C880] =	vst v63  }
0x165: {  	s15 =	simm.s32 $0xF080;
	[dreg:$0xe] =	wrdreg s14;
	s14 =	sadd.s32 $0x280000, s0  }
0x166: {  	[hbm4b:s14+s2] =	stream.strided.scatter [tilespmem:s15], [sflag:$0x1], $0x800, s3, s2, $0x38;
	[tilespmem:$0x1C880] =	vst v63  }
0x167: {  	s5 =	sadd.s32 $0x300000, s0;
	s7 =	simm.s32 $0xF880  }
0x168: {  	[hbm4b:s5+s2] =	stream.strided.scatter [tilespmem:s7], [sflag:$0x1], $0x800, s3, s2, $0x38;
	[tilespmem:$0x1C880] =	vst v63  }
0x169: {  	s8 =	sadd.s32 $0x380000, s0;
	s9 =	simm.s32 $0x10080  }
0x16a: {  	[hbm4b:s8+s2] =	stream.strided.scatter [tilespmem:s9], [sflag:$0x1], $0x800, s3, s2, $0x38;
	[tilespmem:$0x1C880] =	vst v63  }
0x16b: {  	s10 =	sadd.s32 $0x400000, s0;
	s11 =	simm.s32 $0x10880  }
0x16c: {  	[hbm4b:s10+s2] =	stream.strided.scatter [tilespmem:s11], [sflag:$0x1], $0x800, s3, s2, $0x38;
	[tilespmem:$0x1C880] =	vst v63  }
0x16d: {  	s12 =	sadd.s32 $0x480000, s0;
	s13 =	simm.s32 $0x11080  }
0x16e: {  	[hbm4b:s12+s2] =	stream.strided.scatter [tilespmem:s13], [sflag:$0x1], $0x800, s3, s2, $0x38;
	[tilespmem:$0x1C880] =	vst v63  }
0x16f: {  	s14 =	sadd.s32 $0x500000, s0;
	s15 =	simm.s32 $0x11880  }
0x170: {  	[hbm4b:s14+s2] =	stream.strided.scatter [tilespmem:s15], [sflag:$0x1], $0x800, s3, s2, $0x38;
	[tilespmem:$0x1C880] =	vst v63  }
0x171: {  	s5 =	sadd.s32 $0x580000, s0;
	s7 =	simm.s32 $0x12080  }
0x172: {  	[hbm4b:s5+s2] =	stream.strided.scatter [tilespmem:s7], [sflag:$0x1], $0x800, s3, s2, $0x38;
	[tilespmem:$0x1C880] =	vst v63  }
0x173: {  	s8 =	sadd.s32 $0x600000, s0;
	s9 =	simm.s32 $0x12880  }
0x174: {  	[hbm4b:s8+s2] =	stream.strided.scatter [tilespmem:s9], [sflag:$0x1], $0x800, s3, s2, $0x38;
	[tilespmem:$0x1C880] =	vst v63  }
0x175: {  	s10 =	sadd.s32 $0x680000, s0;
	s11 =	simm.s32 $0x13080  }
0x176: {  	[hbm4b:s10+s2] =	stream.strided.scatter [tilespmem:s11], [sflag:$0x1], $0x800, s3, s2, $0x38;
	[tilespmem:$0x1C880] =	vst v63  }
0x177: {  	s12 =	sadd.s32 $0x700000, s0;
	s13 =	simm.s32 $0x13880;
	s14 =	rddreg [dreg:$0xc]  }
0x178: {  	[hbm4b:s12+s2] =	stream.strided.scatter [tilespmem:s13], [sflag:$0x1], $0x800, s3, s2, $0x38;
	[tilespmem:$0x1C880] =	vst v63  }
0x179: {  	s0 =	sadd.s32 $0x780000, s0;
	s15 =	simm.s32 $0x14080;
	s1 =	sor.u32 $0x1, s14  }
0x17a: {  	v1 =	vmov s1;
	[hbm4b:s0+s2] =	stream.strided.scatter [tilespmem:s15], [sflag:$0x1], $0x800, s3, s2, $0x38;
	[tilespmem:$0x1C880] =	vst v63  }
0x17b: {  	s0 =	simm.s32 @!p0 $0x2  }
0x17c: {  	_ =	swait.ge @!p0 [sflag:s0], $0x8000  }
0x17d: {  	[sflag:s0] =	ssyncset.done @!p0 $0x0  }
0x17e: {  	s3 =	simm.s32 $0xC800;
	[sflag:s0] =	ssyncadd.s32 @!p0 $0xFFFF8000  }
0x17f: {  	v5 =	vld.idx.msk [tilespmem:v1+s3+$0x0], $0xffff  }
0x180: {  	s4 =	simm.s32 $0xC020;
	s5 =	sor.u32 $0x1, s6;
	s6 =	simm.s32 $0x30  }
0x181: {  	v10 =	vadd.s32 s5, v0;
	v2 =	vmov s6;
	v1 =	vld [tilespmem:s4+$0x10]  }
0x182: {  	v2 =	vsub.s32 v10, v2  }
0x183: {  	s8 =	simm.s32 $0x10;
	vm0 =	vgt.s32 v2, $0x0;
	[dreg:$0xf] =	wrdreg s5  }
0x184: {  	s7 =	simm.s32 $0x0;
	v4 =	vmov s8;
	v2 =	vnsel vm0, $0x0, v2;
	v7 =	vld [tilespmem:s4+$0xFFFFFFE0];
	v3 =	vshll.u32 v5, $0x5  }
0x185: {  	v2 =	vmin.u32 v2, $0x7FF;
	v6 =	vadd.s32 $0x800, v3;
	v3 =	vmov s7  }
0x186: {  	v9 =	vld [tilespmem:s4+$0xFFFFFFF0];
	vm0 =	veq.s32 v5, v1;
	v3 =	vsub.s32 v10, v3;
	v1 =	vadd.s32 v6, v1  }
0x187: {  	s9 =	simm.s32 $0x20;
	v4 =	vsub.s32 v10, v4;
	vm1 =	vgt.s32 v3, $0x0;
	v11 =	vsel vm0, v2, v1  }
0x188: {  	vm0 =	vgt.s32 v4, $0x0;
	v2 =	vmov s9;
	v1 =	vnsel vm1, $0x0, v3  }
0x189: {  	v3 =	vnsel vm0, $0x0, v4;
	v4 =	vld [tilespmem:s4+$0x0];
	vm0 =	veq.s32 v5, v7;
	v7 =	vadd.s32 v6, v7  }
0x18a: {  	v2 =	vsub.s32 v10, v2;
	v1 =	vmin.u32 v1, $0x7FF;
	v3 =	vmin.u32 v3, $0x7FF  }
0x18b: {  	v8 =	vsel vm0, v1, v7;
	vm0 =	veq.s32 v5, v9;
	v1 =	vadd.s32 v6, v9  }
0x18c: {  	v9 =	vsel vm0, v3, v1;
	vm0 =	vgt.s32 v2, $0x0;
	v1 =	vld.idx.msk [tilespmem:v11+s17+$0x0], $0xffff  }
0x18d: {  	v2 =	vnsel vm0, $0x0, v2  }
0x18e: {  	v2 =	vmin.u32 v2, $0x7FF;
	vm0 =	veq.s32 v5, v4;
	v3 =	vadd.s32 v6, v4  }
0x18f: {  	v7 =	vsel vm0, v2, v3  }
0x190: {  	s11 =	simm.s32 $0x148A0;
	v2 =	vld.idx.msk [tilespmem:v8+s17+$0x0], $0xffff  }
0x191: {  	[tilespmem:s11+$0x10] =	vst v1  }
0x192: {  	v1 =	vld.idx.msk [tilespmem:v11+s18+$0x0], $0xffff  }
0x193: {  	v3 =	vld.idx.msk [tilespmem:v9+s17+$0x0], $0xffff  }
0x194: {  	s31 =	sand.u32 $0x780, s7;
	v4 =	vld.idx.msk [tilespmem:v7+s17+$0x0], $0xffff  }
0x195: {  	s10 =	sand.u32 $0x70, s6;
	s12 =	sadd.s32 $0x15080, s31;
	[tilespmem:s11+$0xFFFFFFE0] =	vst v2  }
0x196: {  	s1 =	sor.u32 s10, s12;
	v2 =	vld.idx.msk [tilespmem:v8+s18+$0x0], $0xffff  }
0x197: {  	[tilespmem:s1+$0x0] =	vst v1  }
0x198: {  	[tilespmem:s11+$0xFFFFFFF0] =	vst v3;
	v1 =	vld.idx.msk [tilespmem:v11+s21+$0x0], $0xffff  }
0x199: {  	s2 =	sand.u32 $0x40, s7;
	v3 =	vld.idx.msk [tilespmem:v9+s18+$0x0], $0xffff;
	[tilespmem:s11+$0x0] =	vst v4  }
0x19a: {  	s13 =	sor.u32 s2, s12;
	v4 =	vld.idx.msk [tilespmem:v7+s18+$0x0], $0xffff  }
0x19b: {  	s15 =	sadd.s32 $0x15880, s31;
	[tilespmem:s13+$0x0] =	vst v2  }
0x19c: {  	s5 =	sand.u32 $0x50, s8;
	s3 =	sor.u32 s10, s15;
	v2 =	vld.idx.msk [tilespmem:v8+s21+$0x0], $0xffff  }
0x19d: {  	s14 =	sor.u32 s5, s12;
	s1 =	sand.u32 $0x60, s9;
	[tilespmem:s3+$0x0] =	vst v1  }
0x19e: {  	s7 =	sor.u32 s1, s12;
	[tilespmem:s14+$0x0] =	vst v3;
	v1 =	vld.idx.msk [tilespmem:v11+s22+$0x0], $0xffff  }
0x19f: {  	v3 =	vld.idx.msk [tilespmem:v9+s21+$0x0], $0xffff;
	[tilespmem:s7+$0x0] =	vst v4  }
0x1a0: {  	s8 =	sor.u32 s2, s15;
	v4 =	vld.idx.msk [tilespmem:v7+s21+$0x0], $0xffff  }
0x1a1: {  	s11 =	sadd.s32 $0x16080, s31;
	[tilespmem:s8+$0x0] =	vst v2  }
0x1a2: {  	s12 =	sor.u32 s10, s11;
	v2 =	vld.idx.msk [tilespmem:v8+s22+$0x0], $0xffff  }
0x1a3: {  	s9 =	sor.u32 s5, s15;
	[tilespmem:s12+$0x0] =	vst v1  }
0x1a4: {  	s0 =	sor.u32 s1, s15;
	[tilespmem:s9+$0x0] =	vst v3;
	v1 =	vld.idx.msk [tilespmem:v11+s29+$0x0], $0xffff  }
0x1a5: {  	v3 =	vld.idx.msk [tilespmem:v9+s22+$0x0], $0xffff;
	[tilespmem:s0+$0x0] =	vst v4  }
0x1a6: {  	s13 =	sor.u32 s2, s11;
	v4 =	vld.idx.msk [tilespmem:v7+s22+$0x0], $0xffff  }
0x1a7: {  	s15 =	sadd.s32 $0x16880, s31;
	[tilespmem:s13+$0x0] =	vst v2  }
0x1a8: {  	s6 =	sor.u32 s10, s15;
	v2 =	vld.idx.msk [tilespmem:v8+s29+$0x0], $0xffff  }
0x1a9: {  	s14 =	sor.u32 s5, s11;
	[tilespmem:s6+$0x0] =	vst v1  }
0x1aa: {  	s3 =	sor.u32 s1, s11;
	[tilespmem:s14+$0x0] =	vst v3;
	v1 =	vld.idx.msk [tilespmem:v11+s23+$0x0], $0xffff  }
0x1ab: {  	v3 =	vld.idx.msk [tilespmem:v9+s29+$0x0], $0xffff;
	[tilespmem:s3+$0x0] =	vst v4  }
0x1ac: {  	s7 =	sor.u32 s2, s15;
	v4 =	vld.idx.msk [tilespmem:v7+s29+$0x0], $0xffff  }
0x1ad: {  	s9 =	sadd.s32 $0x17080, s31;
	[tilespmem:s7+$0x0] =	vst v2  }
0x1ae: {  	s11 =	sor.u32 s10, s9;
	v2 =	vld.idx.msk [tilespmem:v8+s23+$0x0], $0xffff  }
0x1af: {  	s8 =	sor.u32 s5, s15;
	[tilespmem:s11+$0x0] =	vst v1  }
0x1b0: {  	s0 =	sor.u32 s1, s15;
	[tilespmem:s8+$0x0] =	vst v3;
	v1 =	vld.idx.msk [tilespmem:v11+s24+$0x0], $0xffff  }
0x1b1: {  	v3 =	vld.idx.msk [tilespmem:v9+s23+$0x0], $0xffff;
	[tilespmem:s0+$0x0] =	vst v4  }
0x1b2: {  	s12 =	sor.u32 s2, s9;
	v4 =	vld.idx.msk [tilespmem:v7+s23+$0x0], $0xffff  }
0x1b3: {  	s14 =	sadd.s32 $0x17880, s31;
	[tilespmem:s12+$0x0] =	vst v2  }
0x1b4: {  	s15 =	sor.u32 s10, s14;
	v2 =	vld.idx.msk [tilespmem:v8+s24+$0x0], $0xffff  }
0x1b5: {  	s13 =	sor.u32 s5, s9;
	[tilespmem:s15+$0x0] =	vst v1  }
0x1b6: {  	s4 =	sor.u32 s1, s9;
	[tilespmem:s13+$0x0] =	vst v3;
	v1 =	vld.idx.msk [tilespmem:v11+s20+$0x0], $0xffff  }
0x1b7: {  	v3 =	vld.idx.msk [tilespmem:v9+s24+$0x0], $0xffff;
	[tilespmem:s4+$0x0] =	vst v4  }
0x1b8: {  	s7 =	sor.u32 s2, s14;
	v4 =	vld.idx.msk [tilespmem:v7+s24+$0x0], $0xffff  }
0x1b9: {  	s11 =	simm.s32 $0xC060;
	[tilespmem:s7+$0x0] =	vst v2;
	s7 =	sadd.s32 $0x18080, s31  }
0x1ba: {  	v15 =	vld [tilespmem:s11+$0x10];
	s4 =	simm.s32 $0x40;
	s9 =	sor.u32 s10, s7  }
0x1bb: {  	s6 =	simm.s32 $0x70;
	s3 =	simm.s32 $0x50;
	s8 =	sor.u32 s5, s14;
	v2 =	vld.idx.msk [tilespmem:v8+s20+$0x0], $0xffff;
	[tilespmem:s9+$0x0] =	vst v1;
	v1 =	vmov s4  }
0x1bc: {  	v16 =	vmov s6;
	v13 =	vmov s3;
	s12 =	sor.u32 s1, s14;
	[tilespmem:s8+$0x0] =	vst v3;
	v12 =	vld.idx.msk [tilespmem:v11+s19+$0x0], $0xffff;
	v1 =	vsub.s32 v10, v1  }
0x1bd: {  	v16 =	vsub.s32 v10, v16;
	s0 =	simm.s32 $0x60;
	[tilespmem:s12+$0x0] =	vst v4;
	v4 =	vsub.s32 v10, v13;
	v13 =	vld [tilespmem:s11+$0xFFFFFFE0];
	vm0 =	vgt.s32 v1, $0x0  }
0x1be: {  	vm1 =	vgt.s32 v16, $0x0;
	v14 =	vmov s0;
	v3 =	vld.idx.msk [tilespmem:v9+s20+$0x0], $0xffff;
	v1 =	vnsel vm0, $0x0, v1  }
0x1bf: {  	v18 =	vld [tilespmem:s11+$0xFFFFFFF0];
	v14 =	vsub.s32 v10, v14;
	vm0 =	vgt.s32 v4, $0x0;
	v1 =	vmin.u32 v1, $0x7FF  }
0x1c0: {  	s13 =	sor.u32 s2, s7;
	s8 =	sadd.s32 $0x18880, s31;
	v17 =	vld.idx.msk [tilespmem:v7+s20+$0x0], $0xffff;
	v19 =	vnsel vm0, $0x0, v4;
	vm0 =	vgt.s32 v14, $0x0;
	v4 =	vnsel vm1, $0x0, v16  }
0x1c1: {  	v20 =	vld [tilespmem:s11+$0x0];
	s14 =	sor.u32 s10, s8;
	[tilespmem:s13+$0x0] =	vst v2;
	vm1 =	veq.s32 v5, v15;
	v2 =	vmin.u32 v4, $0x7FF;
	v4 =	vadd.s32 v6, v15  }
0x1c2: {  	s15 =	sor.u32 s5, s7;
	s12 =	simm.s32 $0x6C00;
	[tilespmem:s14+$0x0] =	vst v12;
	v4 =	vsel vm1, v2, v4;
	vm1 =	veq.s32 v5, v13;
	v2 =	vadd.s32 v6, v13  }
0x1c3: {  	[tilespmem:s15+$0x0] =	vst v3;
	v12 =	vnsel vm0, $0x0, v14;
	v14 =	vld.idx.msk [tilespmem:v11+s12+$0x0], $0xffff;
	v3 =	vsel vm1, v1, v2  }
0x1c4: {  	s7 =	sor.u32 s1, s7;
	v15 =	vld.idx.msk [tilespmem:v9+s19+$0x0], $0xffff;
	v13 =	vmin.u32 v19, $0x7FF;
	vm0 =	veq.s32 v5, v18;
	v1 =	vadd.s32 v6, v18  }
0x1c5: {  	[tilespmem:s7+$0x0] =	vst v17;
	v2 =	vmin.u32 v12, $0x7FF;
	v12 =	vld.idx.msk [tilespmem:v8+s19+$0x0], $0xffff;
	v1 =	vsel vm0, v13, v1  }
0x1c6: {  	s12 =	sadd.s32 $0x19080, s31;
	vm0 =	veq.s32 v5, v20;
	v13 =	vadd.s32 v6, v20;
	v16 =	vld.idx.msk [tilespmem:v7+s19+$0x0], $0xffff  }
0x1c7: {  	s13 =	sor.u32 s10, s12;
	v2 =	vsel vm0, v2, v13;
	v13 =	vld.idx.msk [tilespmem:v4+s17+$0x0], $0xffff  }
0x1c8: {  	s15 =	sor.u32 s5, s8;
	v17 =	vld.idx.msk [tilespmem:v3+s17+$0x0], $0xffff;
	[tilespmem:s13+$0x0] =	vst v14  }
0x1c9: {  	s14 =	sor.u32 s2, s8;
	[tilespmem:s15+$0x0] =	vst v15;
	v14 =	vld.idx.msk [tilespmem:v11+s25+$0x0], $0xffff  }
0x1ca: {  	s11 =	sor.u32 s1, s8;
	[tilespmem:s14+$0x0] =	vst v12;
	s13 =	simm.s32 $0x6C00;
	v12 =	vld.idx.msk [tilespmem:v1+s17+$0x0], $0xffff  }
0x1cb: {  	s30 =	simm.s32 $0x148E0;
	[tilespmem:s11+$0x0] =	vst v16;
	v16 =	vld.idx.msk [tilespmem:v8+s13+$0x0], $0xffff  }
0x1cc: {  	s11 =	sadd.s32 $0x19880, s31;
	v15 =	vld.idx.msk [tilespmem:v2+s17+$0x0], $0xffff;
	[tilespmem:s30+$0x10] =	vst v13  }
0x1cd: {  	s14 =	sor.u32 s10, s11;
	v13 =	vld.idx.msk [tilespmem:v9+s13+$0x0], $0xffff;
	[tilespmem:s30+$0xFFFFFFE0] =	vst v17  }
0x1ce: {  	v17 =	vld.idx.msk [tilespmem:v4+s18+$0x0], $0xffff;
	[tilespmem:s14+$0x0] =	vst v14  }
0x1cf: {  	s7 =	sor.u32 s2, s12;
	v18 =	vld.idx.msk [tilespmem:v3+s18+$0x0], $0xffff;
	[tilespmem:s30+$0xFFFFFFF0] =	vst v12  }
0x1d0: {  	s8 =	sand.u32 $0x780, s4;
	[tilespmem:s7+$0x0] =	vst v16;
	v12 =	vld.idx.msk [tilespmem:v11+s28+$0x0], $0xffff  }
0x1d1: {  	s9 =	sand.u32 $0x70, s6;
	s13 =	sor.u32 s5, s12;
	s14 =	sadd.s32 $0x15080, s8;
	v14 =	vld.idx.msk [tilespmem:v1+s18+$0x0], $0xffff;
	[tilespmem:s30+$0x0] =	vst v15  }
0x1d2: {  	s15 =	simm.s32 $0x6C00;
	s7 =	sand.u32 $0x40, s4;
	s6 =	sor.u32 s9, s14;
	v15 =	vld.idx.msk [tilespmem:v2+s18+$0x0], $0xffff;
	[tilespmem:s13+$0x0] =	vst v13  }
0x1d3: {  	s4 =	sadd.s32 $0x1A080, s31;
	v13 =	vld.idx.msk [tilespmem:v7+s15+$0x0], $0xffff;
	s13 =	sor.u32 s7, s14;
	[tilespmem:s6+$0x0] =	vst v17  }
0x1d4: {  	s3 =	sand.u32 $0x50, s3;
	v16 =	vld.idx.msk [tilespmem:v8+s25+$0x0], $0xffff;
	[tilespmem:s13+$0x0] =	vst v18;
	s13 =	sor.u32 s10, s4  }
0x1d5: {  	s15 =	sor.u32 s3, s14;
	s6 =	sand.u32 $0x60, s0;
	v17 =	vld.idx.msk [tilespmem:v4+s21+$0x0], $0xffff;
	[tilespmem:s13+$0x0] =	vst v12  }
0x1d6: {  	s14 =	sor.u32 s6, s14;
	v18 =	vld.idx.msk [tilespmem:v3+s21+$0x0], $0xffff;
	[tilespmem:s15+$0x0] =	vst v14;
	s15 =	simm.s32 $0x9000  }
0x1d7: {  	s12 =	sor.u32 s1, s12;
	v12 =	vld.idx.msk [tilespmem:v11+s15+$0x0], $0xffff;
	[tilespmem:s14+$0x0] =	vst v15  }
0x1d8: {  	s13 =	sadd.s32 $0x15880, s8;
	v14 =	vld.idx.msk [tilespmem:v1+s21+$0x0], $0xffff;
	s14 =	sor.u32 s2, s11;
	[tilespmem:s12+$0x0] =	vst v13  }
0x1d9: {  	s0 =	sor.u32 s9, s13;
	v15 =	vld.idx.msk [tilespmem:v2+s21+$0x0], $0xffff;
	[tilespmem:s14+$0x0] =	vst v16  }
0x1da: {  	v13 =	vld.idx.msk [tilespmem:v9+s25+$0x0], $0xffff;
	s14 =	sor.u32 s7, s13;
	[tilespmem:s0+$0x0] =	vst v17;
	s0 =	sadd.s32 $0x1A880, s31  }
0x1db: {  	v16 =	vld.idx.msk [tilespmem:v7+s25+$0x0], $0xffff;
	[tilespmem:s14+$0x0] =	vst v18;
	s14 =	sor.u32 s10, s0  }
0x1dc: {  	s25 =	sor.u32 s3, s13;
	v17 =	vld.idx.msk [tilespmem:v4+s22+$0x0], $0xffff;
	[tilespmem:s14+$0x0] =	vst v12  }
0x1dd: {  	s13 =	sor.u32 s6, s13;
	v18 =	vld.idx.msk [tilespmem:v3+s22+$0x0], $0xffff;
	[tilespmem:s25+$0x0] =	vst v14  }
0x1de: {  	s25 =	sor.u32 s5, s11;
	v12 =	vld.idx.msk [tilespmem:v11+s26+$0x0], $0xffff;
	[tilespmem:s13+$0x0] =	vst v15  }
0x1df: {  	s12 =	sadd.s32 $0x16080, s8;
	s11 =	sor.u32 s1, s11;
	v14 =	vld.idx.msk [tilespmem:v1+s22+$0x0], $0xffff;
	[tilespmem:s25+$0x0] =	vst v13  }
0x1e0: {  	s14 =	sor.u32 s9, s12;
	v15 =	vld.idx.msk [tilespmem:v2+s22+$0x0], $0xffff;
	[tilespmem:s11+$0x0] =	vst v16  }
0x1e1: {  	s25 =	sor.u32 s7, s12;
	s11 =	sadd.s32 $0x1B080, s31;
	v16 =	vld.idx.msk [tilespmem:v9+s28+$0x0], $0xffff;
	[tilespmem:s14+$0x0] =	vst v17  }
0x1e2: {  	v13 =	vld.idx.msk [tilespmem:v8+s28+$0x0], $0xffff;
	s14 =	sor.u32 s10, s11;
	[tilespmem:s25+$0x0] =	vst v18  }
0x1e3: {  	v17 =	vld.idx.msk [tilespmem:v4+s29+$0x0], $0xffff;
	s25 =	sor.u32 s3, s12;
	[tilespmem:s14+$0x0] =	vst v12  }
0x1e4: {  	s16 =	simm.s32 $0xA800;
	s12 =	sor.u32 s6, s12;
	v18 =	vld.idx.msk [tilespmem:v3+s29+$0x0], $0xffff;
	[tilespmem:s25+$0x0] =	vst v14  }
0x1e5: {  	s25 =	sor.u32 s5, s4;
	v12 =	vld.idx.msk [tilespmem:v11+s16+$0x0], $0xffff;
	[tilespmem:s12+$0x0] =	vst v15  }
0x1e6: {  	s14 =	sadd.s32 $0x16880, s8;
	s16 =	sor.u32 s2, s4;
	v14 =	vld.idx.msk [tilespmem:v1+s29+$0x0], $0xffff;
	[tilespmem:s25+$0x0] =	vst v16  }
0x1e7: {  	v15 =	vld.idx.msk [tilespmem:v2+s29+$0x0], $0xffff;
	[tilespmem:s16+$0x0] =	vst v13;
	s16 =	sor.u32 s9, s14  }
0x1e8: {  	s13 =	sadd.s32 $0x1B880, s31;
	s25 =	sor.u32 s7, s14;
	v13 =	vld.idx.msk [tilespmem:v7+s28+$0x0], $0xffff;
	[tilespmem:s16+$0x0] =	vst v17  }
0x1e9: {  	v16 =	vld.idx.msk [tilespmem:v8+s15+$0x0], $0xffff;
	s15 =	sor.u32 s10, s13;
	[tilespmem:s25+$0x0] =	vst v18  }
0x1ea: {  	v17 =	vld.idx.msk [tilespmem:v4+s23+$0x0], $0xffff;
	s25 =	sor.u32 s3, s14;
	[tilespmem:s15+$0x0] =	vst v12  }
0x1eb: {  	v18 =	vld.idx.msk [tilespmem:v3+s23+$0x0], $0xffff;
	[tilespmem:s25+$0x0] =	vst v14;
	s25 =	simm.s32 $0xB400  }
0x1ec: {  	s12 =	sor.u32 s6, s14;
	v11 =	vld.idx.msk [tilespmem:v11+s25+$0x0], $0xffff  }
0x1ed: {  	s4 =	sor.u32 s1, s4;
	s16 =	simm.s32 $0x9000;
	v12 =	vld.idx.msk [tilespmem:v1+s23+$0x0], $0xffff;
	[tilespmem:s12+$0x0] =	vst v15  }
0x1ee: {  	s14 =	sadd.s32 $0x17080, s8;
	s15 =	sor.u32 s2, s0;
	[tilespmem:s4+$0x0] =	vst v13;
	v13 =	vld.idx.msk [tilespmem:v9+s16+$0x0], $0xffff  }
0x1ef: {  	v14 =	vld.idx.msk [tilespmem:v2+s23+$0x0], $0xffff;
	s23 =	sor.u32 s9, s14;
	[tilespmem:s15+$0x0] =	vst v16  }
0x1f0: {  	s25 =	sor.u32 s7, s14;
	s15 =	sadd.s32 $0x1C080, s31;
	v15 =	vld.idx.msk [tilespmem:v7+s16+$0x0], $0xffff;
	[tilespmem:s23+$0x0] =	vst v17  }
0x1f1: {  	s23 =	sor.u32 s10, s15;
	[tilespmem:s25+$0x0] =	vst v18;
	v16 =	vld.idx.msk [tilespmem:v4+s24+$0x0], $0xffff  }
0x1f2: {  	s25 =	sor.u32 s3, s14;
	v17 =	vld.idx.msk [tilespmem:v3+s24+$0x0], $0xffff;
	[tilespmem:s23+$0x0] =	vst v11  }
0x1f3: {  	s12 =	sor.u32 s6, s14;
	s14 =	sor.u32 s5, s0;
	[tilespmem:s25+$0x0] =	vst v12;
	v11 =	vld.idx.msk [tilespmem:v8+s26+$0x0], $0xffff  }
0x1f4: {  	[tilespmem:s14+$0x0] =	vst v13;
	v12 =	vld.idx.msk [tilespmem:v1+s24+$0x0], $0xffff  }
0x1f5: {  	s16 =	sadd.s32 $0x17880, s8;
	s0 =	sor.u32 s1, s0;
	[tilespmem:s12+$0x0] =	vst v14;
	v18 =	vld.idx.msk [tilespmem:v9+s26+$0x0], $0xffff  }
0x1f6: {  	s23 =	sor.u32 s9, s16;
	[tilespmem:s0+$0x0] =	vst v15;
	v14 =	vld.idx.msk [tilespmem:v2+s24+$0x0], $0xffff  }
0x1f7: {  	s24 =	sor.u32 s7, s16;
	v15 =	vld.idx.msk [tilespmem:v7+s26+$0x0], $0xffff;
	[tilespmem:s23+$0x0] =	vst v16  }
0x1f8: {  	s25 =	sor.u32 s2, s11;
	[tilespmem:s24+$0x0] =	vst v17;
	v16 =	vld.idx.msk [tilespmem:v4+s20+$0x0], $0xffff  }
0x1f9: {  	s29 =	simm.s32 $0x90;
	s12 =	simm.s32 $0xA800;
	s26 =	sor.u32 s3, s16;
	[tilespmem:s25+$0x0] =	vst v11;
	v17 =	vld.idx.msk [tilespmem:v3+s20+$0x0], $0xffff  }
0x1fa: {  	s28 =	simm.s32 $0xA0;
	s31 =	simm.s32 $0x80;
	s25 =	sor.u32 s5, s11;
	[tilespmem:s26+$0x0] =	vst v12;
	v20 =	vld.idx.msk [tilespmem:v8+s12+$0x0], $0xffff  }
0x1fb: {  	s4 =	sor.u32 s6, s16;
	s10 =	sor.u32 s2, s15;
	s0 =	sor.u32 s5, s15;
	[tilespmem:s25+$0x0] =	vst v18;
	v11 =	vld.idx.msk [tilespmem:v1+s20+$0x0], $0xffff  }
0x1fc: {  	s16 =	sor.u32 s2, s13;
	s23 =	sadd.s32 $0x18080, s8;
	s26 =	sor.u32 s1, s11;
	[tilespmem:s4+$0x0] =	vst v14;
	v14 =	vld.idx.msk [tilespmem:v9+s12+$0x0], $0xffff  }
0x1fd: {  	s2 =	simm.s32 $0xC0A0;
	s24 =	sor.u32 s9, s23;
	s25 =	simm.s32 $0xA800;
	[tilespmem:s26+$0x0] =	vst v15;
	v13 =	vld.idx.msk [tilespmem:v2+s20+$0x0], $0xffff  }
0x1fe: {  	s14 =	sor.u32 s3, s23;
	s11 =	sor.u32 s1, s13;
	v12 =	vmov s31;
	s26 =	sor.u32 s7, s23;
	v15 =	vld.idx.msk [tilespmem:v7+s25+$0x0], $0xffff;
	[tilespmem:s24+$0x0] =	vst v16  }
0x1ff: {  	v63 =	vmov s28;
	s1 =	sor.u32 s1, s15;
	s4 =	sor.u32 s5, s13;
	v19 =	vsub.s32 v10, v12;
	s13 =	sor.u32 s6, s23;
	v16 =	vmov s29;
	[tilespmem:s26+$0x0] =	vst v17;
	v12 =	vld.idx.msk [tilespmem:v4+s19+$0x0], $0xffff  }
0x200: {  	s12 =	simm.s32 $0xB0;
	s5 =	simm.s32 $0xC0;
	s23 =	simm.s32 $0x9C00;
	vm0 =	vgt.s32 v19, $0x0;
	v18 =	vsub.s32 v10, v16;
	v17 =	vsub.s32 v10, v63;
	v16 =	vld [tilespmem:s2+$0x10];
	[tilespmem:s16+$0x0] =	vst v20  }
.LBB2_5:
0x201: {  	p0 =	slt.u32 s5, $0x7C0;
	v20 =	vld [tilespmem:s2+$0xFFFFFFE0];
	v19 =	vnsel vm0, $0x0, v19;
	vm0 =	vgt.s32 v18, $0x0;
	v21 =	vmov s12;
	[tilespmem:s14+$0x0] =	vst v11  }
0x202: {  	vm1 =	vgt.s32 v17, $0x0;
	v19 =	vmin.u32 v19, $0x7FF;
	v22 =	vld [tilespmem:s2+$0xFFFFFFF0];
	v11 =	vsub.s32 v10, v21;
	[tilespmem:s13+$0x0] =	vst v13  }
0x203: {  	v13 =	vnsel vm0, $0x0, v18;
	v17 =	vnsel vm1, $0x0, v17;
	s13 =	sadd.s32 $0x18880, s8;
	v18 =	vld [tilespmem:s2+$0x0];
	vm0 =	vgt.s32 v11, $0x0;
	[tilespmem:s4+$0x0] =	vst v14  }
0x204: {  	v13 =	vmin.u32 v13, $0x7FF;
	v14 =	vmin.u32 v17, $0x7FF;
	s4 =	sor.u32 s7, s13;
	s14 =	sor.u32 s3, s13;
	s15 =	sor.u32 s9, s13;
	v11 =	vnsel vm0, $0x0, v11;
	v17 =	vld.idx.msk [tilespmem:v3+s19+$0x0], $0xffff;
	[tilespmem:s11+$0x0] =	vst v15  }
0x205: {  	s20 =	simm.s32 $0x6C00;
	s11 =	sor.u32 s6, s13;
	v11 =	vmin.u32 v11, $0x7FF;
	vm0 =	veq.s32 v5, v16;
	v15 =	vadd.s32 v6, v16;
	v16 =	vld.idx.msk [tilespmem:v1+s19+$0x0], $0xffff;
	[tilespmem:s15+$0x0] =	vst v12  }
0x206: {  	vm1 =	veq.s32 v5, v20;
	v12 =	vadd.s32 v6, v20;
	v11 =	vsel vm0, v11, v15;
	v15 =	vld.idx.msk [tilespmem:v4+s20+$0x0], $0xffff  }
0x207: {  	s13 =	simm.s32 $0xB400;
	v12 =	vsel vm1, v19, v12;
	vm0 =	veq.s32 v5, v22;
	v19 =	vadd.s32 v6, v22;
	v20 =	vld.idx.msk [tilespmem:v2+s19+$0x0], $0xffff  }
0x208: {  	v13 =	vsel vm0, v13, v19;
	vm0 =	veq.s32 v5, v18;
	v18 =	vadd.s32 v6, v18;
	v19 =	vld.idx.msk [tilespmem:v8+s13+$0x0], $0xffff  }
0x209: {  	v8 =	vmovc v3;
	v3 =	vmovc v12;
	v14 =	vsel vm0, v14, v18;
	v18 =	vld.idx.msk [tilespmem:v9+s13+$0x0], $0xffff;
	v9 =	vmov v1;
	v1 =	vmov v13  }
0x20a: {  	[tilespmem:s4+$0x0] =	vst v17;
	s4 =	sadd.s32 $0x19080, s8;
	v13 =	vld.idx.msk [tilespmem:v7+s13+$0x0], $0xffff;
	v7 =	vmov v2;
	v2 =	vmov v14  }
0x20b: {  	v14 =	vld.idx.msk [tilespmem:v11+s17+$0x0], $0xffff;
	s15 =	sor.u32 s7, s4;
	[tilespmem:s14+$0x0] =	vst v16;
	s16 =	sor.u32 s3, s4;
	s13 =	sor.u32 s9, s4  }
0x20c: {  	s25 =	simm.s32 $0x7800;
	s14 =	sor.u32 s6, s4;
	v12 =	vld.idx.msk [tilespmem:v12+s17+$0x0], $0xffff;
	[tilespmem:s13+$0x0] =	vst v15  }
0x20d: {  	[tilespmem:s11+$0x0] =	vst v20;
	v15 =	vld.idx.msk [tilespmem:v4+s25+$0x0], $0xffff  }
0x20e: {  	v16 =	vld.idx.msk [tilespmem:v1+s17+$0x0], $0xffff;
	[tilespmem:s10+$0x0] =	vst v19  }
0x20f: {  	v17 =	vld.idx.msk [tilespmem:v2+s17+$0x0], $0xffff;
	[tilespmem:s0+$0x0] =	vst v18  }
0x210: {  	s30 =	sadd.s32 $0x40, s30;
	v18 =	vld.idx.msk [tilespmem:v8+s20+$0x0], $0xffff;
	[tilespmem:s1+$0x0] =	vst v13  }
0x211: {  	s0 =	sadd.s32 $0x19880, s8;
	[tilespmem:s30+$0x10] =	vst v14;
	v13 =	vld.idx.msk [tilespmem:v9+s20+$0x0], $0xffff  }
0x212: {  	s10 =	sor.u32 s7, s0;
	s11 =	sor.u32 s3, s0;
	s1 =	sor.u32 s9, s0;
	[tilespmem:s30+$0xFFFFFFE0] =	vst v12;
	v12 =	vld.idx.msk [tilespmem:v11+s18+$0x0], $0xffff  }
0x213: {  	s24 =	simm.s32 $0x8400;
	s4 =	sor.u32 s6, s0;
	v14 =	vld.idx.msk [tilespmem:v3+s18+$0x0], $0xffff;
	[tilespmem:s1+$0x0] =	vst v15  }
0x214: {  	[tilespmem:s30+$0xFFFFFFF0] =	vst v16;
	v15 =	vld.idx.msk [tilespmem:v4+s24+$0x0], $0xffff  }
0x215: {  	s29 =	sand.u32 $0x50, s29;
	s13 =	sand.u32 $0x40, s31;
	s0 =	sand.u32 $0x780, s31;
	v16 =	vld.idx.msk [tilespmem:v1+s18+$0x0], $0xffff;
	[tilespmem:s30+$0x0] =	vst v17  }
0x216: {  	s28 =	sand.u32 $0x60, s28;
	s12 =	sand.u32 $0x70, s12;
	s1 =	sadd.s32 $0x15080, s0;
	v17 =	vld.idx.msk [tilespmem:v2+s18+$0x0], $0xffff;
	[tilespmem:s15+$0x0] =	vst v18  }
0x217: {  	s17 =	sor.u32 s29, s1;
	s15 =	sor.u32 s13, s1;
	s18 =	sor.u32 s12, s1;
	[tilespmem:s16+$0x0] =	vst v13;
	v13 =	vld.idx.msk [tilespmem:v7+s20+$0x0], $0xffff  }
0x218: {  	s31 =	smov.u32 s5;
	s16 =	sor.u32 s28, s1;
	s1 =	sadd.s32 $0x1A080, s8;
	[tilespmem:s18+$0x0] =	vst v12;
	v12 =	vld.idx.msk [tilespmem:v8+s25+$0x0], $0xffff  }
0x219: {  	s20 =	sor.u32 s7, s1;
	s18 =	sor.u32 s3, s1;
	[tilespmem:s15+$0x0] =	vst v14;
	v14 =	vld.idx.msk [tilespmem:v11+s21+$0x0], $0xffff;
	s15 =	sor.u32 s9, s1  }
0x21a: {  	s26 =	simm.s32 $0x9000;
	s1 =	sor.u32 s6, s1;
	v18 =	vld.idx.msk [tilespmem:v3+s21+$0x0], $0xffff;
	[tilespmem:s15+$0x0] =	vst v15  }
0x21b: {  	[tilespmem:s17+$0x0] =	vst v16;
	v15 =	vld.idx.msk [tilespmem:v4+s26+$0x0], $0xffff  }
0x21c: {  	v16 =	vld.idx.msk [tilespmem:v1+s21+$0x0], $0xffff;
	[tilespmem:s16+$0x0] =	vst v17  }
0x21d: {  	s15 =	sadd.s32 $0x15880, s0;
	v17 =	vld.idx.msk [tilespmem:v2+s21+$0x0], $0xffff;
	[tilespmem:s14+$0x0] =	vst v13  }
0x21e: {  	s17 =	sor.u32 s12, s15;
	s16 =	sor.u32 s29, s15;
	s14 =	sor.u32 s13, s15;
	[tilespmem:s10+$0x0] =	vst v12;
	v12 =	vld.idx.msk [tilespmem:v9+s25+$0x0], $0xffff  }
0x21f: {  	s19 =	sor.u32 s28, s15;
	[tilespmem:s17+$0x0] =	vst v14;
	s17 =	sadd.s32 $0x1A880, s8;
	v13 =	vld.idx.msk [tilespmem:v7+s25+$0x0], $0xffff  }
0x220: {  	[tilespmem:s14+$0x0] =	vst v18;
	v14 =	vld.idx.msk [tilespmem:v11+s22+$0x0], $0xffff;
	s10 =	sor.u32 s7, s17;
	s15 =	sor.u32 s3, s17;
	s21 =	sor.u32 s9, s17  }
0x221: {  	s14 =	sor.u32 s6, s17;
	v18 =	vld.idx.msk [tilespmem:v3+s22+$0x0], $0xffff;
	[tilespmem:s21+$0x0] =	vst v15  }
0x222: {  	[tilespmem:s16+$0x0] =	vst v16;
	v15 =	vld.idx.msk [tilespmem:v4+s23+$0x0], $0xffff  }
0x223: {  	v16 =	vld.idx.msk [tilespmem:v1+s22+$0x0], $0xffff;
	[tilespmem:s19+$0x0] =	vst v17  }
0x224: {  	s16 =	sadd.s32 $0x16080, s0;
	v17 =	vld.idx.msk [tilespmem:v2+s22+$0x0], $0xffff;
	[tilespmem:s11+$0x0] =	vst v12  }
0x225: {  	s21 =	sor.u32 s29, s16;
	s17 =	sor.u32 s12, s16;
	s11 =	sor.u32 s13, s16;
	v12 =	vld.idx.msk [tilespmem:v8+s24+$0x0], $0xffff;
	[tilespmem:s4+$0x0] =	vst v13  }
0x226: {  	s22 =	simm.s32 $0x3000;
	s4 =	sor.u32 s28, s16;
	s16 =	sadd.s32 $0x1B080, s8;
	[tilespmem:s17+$0x0] =	vst v14;
	v13 =	vld.idx.msk [tilespmem:v9+s24+$0x0], $0xffff  }
0x227: {  	s19 =	sor.u32 s7, s16;
	s17 =	sor.u32 s3, s16;
	[tilespmem:s11+$0x0] =	vst v18;
	v14 =	vld.idx.msk [tilespmem:v11+s22+$0x0], $0xffff;
	s11 =	sor.u32 s9, s16  }
0x228: {  	s25 =	simm.s32 $0xA800;
	s16 =	sor.u32 s6, s16;
	v18 =	vld.idx.msk [tilespmem:v3+s22+$0x0], $0xffff;
	[tilespmem:s11+$0x0] =	vst v15  }
0x229: {  	[tilespmem:s21+$0x0] =	vst v16;
	v15 =	vld.idx.msk [tilespmem:v4+s25+$0x0], $0xffff  }
0x22a: {  	v16 =	vld.idx.msk [tilespmem:v1+s22+$0x0], $0xffff;
	[tilespmem:s4+$0x0] =	vst v17  }
0x22b: {  	s4 =	sadd.s32 $0x16880, s0;
	v17 =	vld.idx.msk [tilespmem:v2+s22+$0x0], $0xffff;
	[tilespmem:s20+$0x0] =	vst v12  }
0x22c: {  	s11 =	sor.u32 s13, s4;
	s20 =	sor.u32 s29, s4;
	s21 =	sor.u32 s12, s4;
	[tilespmem:s18+$0x0] =	vst v13;
	v12 =	vld.idx.msk [tilespmem:v7+s24+$0x0], $0xffff  }
0x22d: {  	s22 =	sor.u32 s28, s4;
	s24 =	simm.s32 $0x3C00;
	[tilespmem:s21+$0x0] =	vst v14;
	v13 =	vld.idx.msk [tilespmem:v8+s26+$0x0], $0xffff;
	s21 =	sadd.s32 $0x1B880, s8  }
0x22e: {  	[tilespmem:s11+$0x0] =	vst v18;
	v14 =	vld.idx.msk [tilespmem:v11+s24+$0x0], $0xffff;
	s18 =	sor.u32 s7, s21;
	s4 =	sor.u32 s3, s21;
	s23 =	sor.u32 s9, s21  }
0x22f: {  	s11 =	sor.u32 s6, s21;
	v18 =	vld.idx.msk [tilespmem:v3+s24+$0x0], $0xffff;
	[tilespmem:s23+$0x0] =	vst v15;
	s23 =	simm.s32 $0x9C00  }
0x230: {  	[tilespmem:s20+$0x0] =	vst v16;
	s20 =	simm.s32 $0xB400  }
0x231: {  	v15 =	vld.idx.msk [tilespmem:v4+s20+$0x0], $0xffff;
	v4 =	vmov v11  }
0x232: {  	v11 =	vld.idx.msk [tilespmem:v1+s24+$0x0], $0xffff;
	[tilespmem:s22+$0x0] =	vst v17  }
0x233: {  	s20 =	sadd.s32 $0x17080, s0;
	v16 =	vld.idx.msk [tilespmem:v2+s24+$0x0], $0xffff;
	[tilespmem:s1+$0x0] =	vst v12  }
0x234: {  	s21 =	sor.u32 s29, s20;
	s22 =	sor.u32 s12, s20;
	s1 =	sor.u32 s13, s20;
	[tilespmem:s10+$0x0] =	vst v13;
	v12 =	vld.idx.msk [tilespmem:v9+s26+$0x0], $0xffff  }
0x235: {  	s20 =	sor.u32 s28, s20;
	[tilespmem:s22+$0x0] =	vst v14;
	s22 =	sadd.s32 $0x1C080, s8  }
0x236: {  	s24 =	simm.s32 $0x4800;
	v13 =	vld.idx.msk [tilespmem:v7+s26+$0x0], $0xffff;
	s8 =	smov.u32 s0;
	s10 =	sor.u32 s7, s22  }
0x237: {  	[tilespmem:s1+$0x0] =	vst v18;
	v14 =	vld.idx.msk [tilespmem:v4+s24+$0x0], $0xffff;
	s0 =	sor.u32 s3, s22;
	s3 =	sor.u32 s9, s22;
	s1 =	sor.u32 s6, s22  }
0x238: {  	s22 =	simm.s32 $0x2400;
	s7 =	smov.u32 s13;
	v17 =	vld.idx.msk [tilespmem:v3+s24+$0x0], $0xffff;
	[tilespmem:s3+$0x0] =	vst v15;
	s3 =	smov.u32 s29  }
0x239: {  	s6 =	smov.u32 s28;
	s9 =	smov.u32 s12;
	[tilespmem:s21+$0x0] =	vst v11;
	s21 =	simm.s32 $0x1800;
	v11 =	vld.idx.msk [tilespmem:v8+s23+$0x0], $0xffff  }
0x23a: {  	v15 =	vld.idx.msk [tilespmem:v1+s24+$0x0], $0xffff;
	[tilespmem:s20+$0x0] =	vst v16  }
0x23b: {  	s12 =	sadd.s32 $0x17880, s8;
	v16 =	vld.idx.msk [tilespmem:v2+s24+$0x0], $0xffff;
	[tilespmem:s15+$0x0] =	vst v12  }
0x23c: {  	s13 =	sor.u32 s7, s12;
	s20 =	sor.u32 s9, s12;
	s15 =	sor.u32 s3, s12;
	v12 =	vld.idx.msk [tilespmem:v9+s23+$0x0], $0xffff;
	[tilespmem:s14+$0x0] =	vst v13  }
0x23d: {  	s12 =	sor.u32 s6, s12;
	[tilespmem:s20+$0x0] =	vst v14;
	s20 =	simm.s32 $0x5400;
	v18 =	vld.idx.msk [tilespmem:v7+s23+$0x0], $0xffff  }
0x23e: {  	[tilespmem:s13+$0x0] =	vst v17;
	v17 =	vld.idx.msk [tilespmem:v4+s20+$0x0], $0xffff  }
0x23f: {  	v20 =	vld.idx.msk [tilespmem:v3+s20+$0x0], $0xffff;
	[tilespmem:s19+$0x0] =	vst v11;
	s19 =	simm.s32 $0x6000  }
0x240: {  	[tilespmem:s15+$0x0] =	vst v15;
	v21 =	vld.idx.msk [tilespmem:v8+s25+$0x0], $0xffff  }
0x241: {  	v11 =	vld.idx.msk [tilespmem:v1+s20+$0x0], $0xffff;
	[tilespmem:s12+$0x0] =	vst v16  }
.Ltmp1:
0x242: {  	s28 =	sadd.s32 $0x20, s5;
	s12 =	sadd.s32 $0x18080, s8;
	v13 =	vld.idx.msk [tilespmem:v2+s20+$0x0], $0xffff;
	[tilespmem:s17+$0x0] =	vst v12;
	(pc) =	sbr.rel @p0 .LBB2_5-.Ltmp1, $4  }
0x243: {  	s15 =	sor.u32 s7, s12;
	s14 =	sor.u32 s3, s12;
	s17 =	sor.u32 s9, s12;
	v14 =	vld.idx.msk [tilespmem:v9+s25+$0x0], $0xffff;
	[tilespmem:s16+$0x0] =	vst v18  }
0x244: {  	s29 =	sadd.s32 $0x10, s5;
	v12 =	vmov s5;
	s13 =	sor.u32 s6, s12;
	[tilespmem:s17+$0x0] =	vst v17;
	s17 =	simm.s32 $0x0;
	v15 =	vld.idx.msk [tilespmem:v7+s25+$0x0], $0xffff  }
0x245: {  	s2 =	sadd.s32 $0x40, s2;
	v16 =	vmov s29;
	v19 =	vsub.s32 v10, v12;
	v17 =	vmov s28;
	[tilespmem:s15+$0x0] =	vst v20;
	v12 =	vld.idx.msk [tilespmem:v4+s19+$0x0], $0xffff  }
0x246: {  	s12 =	sadd.s32 $0x30, s31;
	s5 =	sadd.s32 $0x40, s5;
	v18 =	vsub.s32 v10, v16;
	vm0 =	vgt.s32 v19, $0x0;
	v17 =	vsub.s32 v10, v17;
	v16 =	vld [tilespmem:s2+$0x10];
	[tilespmem:s18+$0x0] =	vst v21;
	s18 =	simm.s32 $0xC00  }
0x247: {  	v20 =	vld [tilespmem:s2+$0xFFFFFFE0];
	v21 =	vmov s12  }
0x248: {  	v19 =	vnsel vm0, $0x0, v19;
	v10 =	vsub.s32 v10, v21  }
0x249: {  	vm10 =	vgt.s32 v18, $0x0;
	v22 =	vld [tilespmem:s2+$0xFFFFFFF0];
	vm1 =	vgt.s32 v17, $0x0;
	vm11 =	vgt.s32 v10, $0x0  }
0x24a: {  	v50 =	vld [tilespmem:s2+$0x0];
	v19 =	vmin.u32 v19, $0x7FF;
	v18 =	vnsel vm10, $0x0, v18;
	v10 =	vnsel vm11, $0x0, v10  }
0x24b: {  	v10 =	vmin.u32 v10, $0x7FF;
	vm12 =	veq.s32 v5, v16;
	v51 =	vadd.s32 v6, v16  }
0x24c: {  	[tilespmem:s14+$0x0] =	vst v11;
	vm13 =	veq.s32 v5, v20;
	v52 =	vadd.s32 v6, v20;
	v11 =	vsel vm12, v10, v51  }
0x24d: {  	s26 =	sadd.s32 $0x18880, s8;
	v53 =	vld.idx.msk [tilespmem:v3+s19+$0x0], $0xffff;
	v17 =	vnsel vm1, $0x0, v17;
	v18 =	vmin.u32 v18, $0x7FF;
	v10 =	vsel vm13, v19, v52  }
0x24e: {  	[tilespmem:s13+$0x0] =	vst v13;
	s5 =	sor.u32 s9, s26;
	v55 =	vld.idx.msk [tilespmem:v1+s19+$0x0], $0xffff;
	v17 =	vmin.u32 v17, $0x7FF;
	vm14 =	veq.s32 v5, v22;
	v54 =	vadd.s32 v6, v22  }
0x24f: {  	[tilespmem:s5+$0x0] =	vst v12;
	vm15 =	veq.s32 v5, v50;
	v56 =	vadd.s32 v6, v50;
	v12 =	vsel vm14, v18, v54  }
0x250: {  	v13 =	vld.idx.msk [tilespmem:v2+s19+$0x0], $0xffff;
	v5 =	vsel vm15, v17, v56  }
0x251: {  	[tilespmem:s4+$0x0] =	vst v14;
	v58 =	vld.idx.msk [tilespmem:v11+s17+$0x0], $0xffff  }
0x252: {  	s25 =	simm.s32 $0xB400;
	s13 =	sor.u32 s7, s26;
	[tilespmem:s11+$0x0] =	vst v15;
	v59 =	vld.idx.msk [tilespmem:v10+s17+$0x0], $0xffff  }
0x253: {  	s14 =	sor.u32 s3, s26;
	v8 =	vld.idx.msk [tilespmem:v8+s25+$0x0], $0xffff;
	[tilespmem:s13+$0x0] =	vst v53  }
0x254: {  	s2 =	sor.u32 s6, s26;
	[tilespmem:s14+$0x0] =	vst v55;
	v60 =	vld.idx.msk [tilespmem:v12+s17+$0x0], $0xffff  }
0x255: {  	s24 =	sadd.s32 $0x40, s30;
	[tilespmem:s2+$0x0] =	vst v13;
	v61 =	vld.idx.msk [tilespmem:v5+s17+$0x0], $0xffff  }
0x256: {  	v9 =	vld.idx.msk [tilespmem:v9+s25+$0x0], $0xffff;
	[tilespmem:s24+$0x10] =	vst v58  }
0x257: {  	[tilespmem:s24+$0xFFFFFFE0] =	vst v59;
	v62 =	vld.idx.msk [tilespmem:v11+s18+$0x0], $0xffff  }
0x258: {  	s15 =	simm.s32 $0x6C00;
	[tilespmem:s10+$0x0] =	vst v8;
	v63 =	vld.idx.msk [tilespmem:v10+s18+$0x0], $0xffff  }
0x259: {  	v57 =	vld.idx.msk [tilespmem:v4+s15+$0x0], $0xffff;
	s2 =	sand.u32 $0x780, s31;
	[tilespmem:s24+$0xFFFFFFF0] =	vst v60  }
0x25a: {  	s5 =	sand.u32 $0x70, s12;
	s26 =	sadd.s32 $0x15080, s2;
	[tilespmem:s24+$0x0] =	vst v61;
	v18 =	vld.idx.msk [tilespmem:v12+s18+$0x0], $0xffff  }
0x25b: {  	s10 =	sand.u32 $0x40, s31;
	[tilespmem:s0+$0x0] =	vst v9;
	s30 =	sor.u32 s5, s26;
	v6 =	vld.idx.msk [tilespmem:v5+s18+$0x0], $0xffff  }
0x25c: {  	s4 =	sadd.s32 $0x19080, s8;
	v7 =	vld.idx.msk [tilespmem:v7+s25+$0x0], $0xffff;
	s31 =	sor.u32 s10, s26;
	[tilespmem:s30+$0x0] =	vst v62  }
0x25d: {  	s16 =	sor.u32 s9, s4;
	s11 =	sand.u32 $0x50, s29;
	[tilespmem:s31+$0x0] =	vst v63;
	v20 =	vld.idx.msk [tilespmem:v11+s21+$0x0], $0xffff  }
0x25e: {  	s14 =	sor.u32 s11, s26;
	[tilespmem:s16+$0x0] =	vst v57;
	s24 =	simm.s32 $0x7800;
	s30 =	sand.u32 $0x60, s28;
	v21 =	vld.idx.msk [tilespmem:v10+s21+$0x0], $0xffff  }
0x25f: {  	v19 =	vld.idx.msk [tilespmem:v4+s24+$0x0], $0xffff;
	s16 =	sor.u32 s30, s26;
	[tilespmem:s14+$0x0] =	vst v18  }
0x260: {  	s31 =	sadd.s32 $0x15880, s2;
	v22 =	vld.idx.msk [tilespmem:v12+s21+$0x0], $0xffff;
	[tilespmem:s16+$0x0] =	vst v6  }
0x261: {  	[tilespmem:s1+$0x0] =	vst v7;
	s14 =	sor.u32 s5, s31;
	v6 =	vld.idx.msk [tilespmem:v5+s21+$0x0], $0xffff  }
0x262: {  	s13 =	sadd.s32 $0x19880, s8;
	v24 =	vld.idx.msk [tilespmem:v1+s15+$0x0], $0xffff;
	s16 =	sor.u32 s10, s31;
	[tilespmem:s14+$0x0] =	vst v20  }
0x263: {  	s26 =	sor.u32 s9, s13;
	[tilespmem:s16+$0x0] =	vst v21;
	v9 =	vld.idx.msk [tilespmem:v11+s22+$0x0], $0xffff  }
0x264: {  	[tilespmem:s26+$0x0] =	vst v19;
	s26 =	sor.u32 s11, s31;
	v13 =	vld.idx.msk [tilespmem:v10+s22+$0x0], $0xffff  }
0x265: {  	v23 =	vld.idx.msk [tilespmem:v3+s15+$0x0], $0xffff;
	s1 =	sor.u32 s30, s31;
	[tilespmem:s26+$0x0] =	vst v22  }
0x266: {  	s12 =	sor.u32 s3, s4;
	s0 =	sadd.s32 $0x16080, s2;
	v14 =	vld.idx.msk [tilespmem:v12+s22+$0x0], $0xffff;
	[tilespmem:s1+$0x0] =	vst v6  }
0x267: {  	[tilespmem:s12+$0x0] =	vst v24;
	s14 =	sor.u32 s5, s0;
	s26 =	simm.s32 $0x8400;
	v6 =	vld.idx.msk [tilespmem:v5+s22+$0x0], $0xffff  }
0x268: {  	s16 =	sor.u32 s10, s0;
	v25 =	vld.idx.msk [tilespmem:v4+s26+$0x0], $0xffff;
	[tilespmem:s14+$0x0] =	vst v9;
	s14 =	simm.s32 $0x3000  }
0x269: {  	s31 =	sor.u32 s7, s4;
	[tilespmem:s16+$0x0] =	vst v13;
	v9 =	vld.idx.msk [tilespmem:v11+s14+$0x0], $0xffff  }
0x26a: {  	[tilespmem:s31+$0x0] =	vst v23;
	s31 =	sor.u32 s11, s0;
	v13 =	vld.idx.msk [tilespmem:v10+s14+$0x0], $0xffff  }
0x26b: {  	v26 =	vld.idx.msk [tilespmem:v2+s15+$0x0], $0xffff;
	s12 =	sadd.s32 $0x1A080, s8;
	s0 =	sor.u32 s30, s0;
	[tilespmem:s31+$0x0] =	vst v14  }
0x26c: {  	s1 =	sadd.s32 $0x16880, s2;
	s16 =	sor.u32 s9, s12;
	v14 =	vld.idx.msk [tilespmem:v12+s14+$0x0], $0xffff;
	[tilespmem:s0+$0x0] =	vst v6  }
0x26d: {  	s31 =	sor.u32 s6, s4;
	s4 =	sor.u32 s5, s1;
	[tilespmem:s16+$0x0] =	vst v25;
	v6 =	vld.idx.msk [tilespmem:v5+s14+$0x0], $0xffff  }
0x26e: {  	v27 =	vld.idx.msk [tilespmem:v3+s24+$0x0], $0xffff;
	s16 =	simm.s32 $0x9000;
	s14 =	sor.u32 s10, s1;
	[tilespmem:s4+$0x0] =	vst v9  }
0x26f: {  	v28 =	vld.idx.msk [tilespmem:v4+s16+$0x0], $0xffff;
	[tilespmem:s14+$0x0] =	vst v13;
	s14 =	simm.s32 $0x3C00  }
0x270: {  	[tilespmem:s31+$0x0] =	vst v26;
	s31 =	sor.u32 s11, s1;
	v9 =	vld.idx.msk [tilespmem:v11+s14+$0x0], $0xffff  }
0x271: {  	s1 =	sor.u32 s30, s1;
	[tilespmem:s31+$0x0] =	vst v14;
	v13 =	vld.idx.msk [tilespmem:v10+s14+$0x0], $0xffff  }
0x272: {  	v29 =	vld.idx.msk [tilespmem:v1+s24+$0x0], $0xffff;
	s0 =	sadd.s32 $0x1A880, s8;
	s31 =	sor.u32 s7, s13;
	[tilespmem:s1+$0x0] =	vst v6  }
0x273: {  	s4 =	sadd.s32 $0x17080, s2;
	v14 =	vld.idx.msk [tilespmem:v12+s14+$0x0], $0xffff;
	[tilespmem:s31+$0x0] =	vst v27;
	s31 =	sor.u32 s9, s0  }
0x274: {  	v6 =	vld.idx.msk [tilespmem:v5+s14+$0x0], $0xffff;
	[tilespmem:s31+$0x0] =	vst v28;
	s31 =	sor.u32 s5, s4  }
0x275: {  	v30 =	vld.idx.msk [tilespmem:v2+s24+$0x0], $0xffff;
	s14 =	sor.u32 s10, s4;
	[tilespmem:s31+$0x0] =	vst v9  }
0x276: {  	v32 =	vld.idx.msk [tilespmem:v3+s26+$0x0], $0xffff;
	[tilespmem:s14+$0x0] =	vst v13;
	s14 =	simm.s32 $0x4800  }
0x277: {  	s31 =	sor.u32 s11, s4;
	v9 =	vld.idx.msk [tilespmem:v11+s14+$0x0], $0xffff  }
0x278: {  	s4 =	sor.u32 s30, s4;
	v13 =	vld.idx.msk [tilespmem:v10+s14+$0x0], $0xffff;
	[tilespmem:s31+$0x0] =	vst v14  }
0x279: {  	s1 =	sor.u32 s3, s13;
	[tilespmem:s4+$0x0] =	vst v6;
	v14 =	vld.idx.msk [tilespmem:v12+s14+$0x0], $0xffff  }
0x27a: {  	[tilespmem:s1+$0x0] =	vst v29;
	s1 =	sadd.s32 $0x17880, s2;
	s31 =	sor.u32 s6, s13;
	v6 =	vld.idx.msk [tilespmem:v5+s14+$0x0], $0xffff  }
0x27b: {  	v31 =	vld.idx.msk [tilespmem:v4+s23+$0x0], $0xffff;
	s13 =	sor.u32 s5, s1;
	[tilespmem:s31+$0x0] =	vst v30  }
0x27c: {  	v33 =	vld.idx.msk [tilespmem:v1+s26+$0x0], $0xffff;
	s14 =	sor.u32 s10, s1;
	[tilespmem:s13+$0x0] =	vst v9  }
0x27d: {  	s31 =	sor.u32 s11, s1;
	[tilespmem:s14+$0x0] =	vst v13;
	v9 =	vld.idx.msk [tilespmem:v11+s20+$0x0], $0xffff  }
0x27e: {  	s1 =	sor.u32 s30, s1;
	v13 =	vld.idx.msk [tilespmem:v10+s20+$0x0], $0xffff;
	[tilespmem:s31+$0x0] =	vst v14  }
0x27f: {  	s4 =	sadd.s32 $0x1B080, s8;
	s14 =	sor.u32 s7, s12;
	[tilespmem:s1+$0x0] =	vst v6;
	v14 =	vld.idx.msk [tilespmem:v12+s20+$0x0], $0xffff  }
0x280: {  	s13 =	sadd.s32 $0x18080, s2;
	s31 =	sor.u32 s9, s4;
	[tilespmem:s14+$0x0] =	vst v32;
	v6 =	vld.idx.msk [tilespmem:v5+s20+$0x0], $0xffff  }
0x281: {  	v37 =	vld.idx.msk [tilespmem:v2+s26+$0x0], $0xffff;
	[tilespmem:s31+$0x0] =	vst v31;
	s31 =	sor.u32 s5, s13;
	s20 =	simm.s32 $0xA800  }
0x282: {  	s14 =	sor.u32 s10, s13;
	v34 =	vld.idx.msk [tilespmem:v4+s20+$0x0], $0xffff;
	[tilespmem:s31+$0x0] =	vst v9  }
0x283: {  	s31 =	sor.u32 s11, s13;
	[tilespmem:s14+$0x0] =	vst v13;
	v9 =	vld.idx.msk [tilespmem:v11+s19+$0x0], $0xffff  }
0x284: {  	s13 =	sor.u32 s30, s13;
	[tilespmem:s31+$0x0] =	vst v14;
	v13 =	vld.idx.msk [tilespmem:v10+s19+$0x0], $0xffff  }
0x285: {  	s1 =	sadd.s32 $0x1B880, s8;
	s31 =	sor.u32 s3, s12;
	[tilespmem:s13+$0x0] =	vst v6;
	v35 =	vld.idx.msk [tilespmem:v12+s19+$0x0], $0xffff  }
0x286: {  	v38 =	vld.idx.msk [tilespmem:v3+s16+$0x0], $0xffff;
	s14 =	sadd.s32 $0x18880, s2;
	[tilespmem:s31+$0x0] =	vst v33;
	s31 =	sor.u32 s9, s1  }
0x287: {  	v36 =	vld.idx.msk [tilespmem:v5+s19+$0x0], $0xffff;
	s19 =	sor.u32 s5, s14;
	[tilespmem:s31+$0x0] =	vst v34  }
0x288: {  	s31 =	sor.u32 s10, s14;
	v43 =	vld.idx.msk [tilespmem:v1+s16+$0x0], $0xffff;
	[tilespmem:s19+$0x0] =	vst v9  }
0x289: {  	[tilespmem:s31+$0x0] =	vst v13;
	s19 =	sor.u32 s11, s14;
	v9 =	vld.idx.msk [tilespmem:v11+s15+$0x0], $0xffff  }
0x28a: {  	s12 =	sor.u32 s6, s12;
	[tilespmem:s19+$0x0] =	vst v35;
	v39 =	vld.idx.msk [tilespmem:v10+s15+$0x0], $0xffff  }
0x28b: {  	[tilespmem:s12+$0x0] =	vst v37;
	s31 =	sor.u32 s30, s14;
	v40 =	vld.idx.msk [tilespmem:v12+s15+$0x0], $0xffff  }
0x28c: {  	s12 =	sadd.s32 $0x19080, s2;
	v42 =	vld.idx.msk [tilespmem:v4+s25+$0x0], $0xffff;
	s14 =	sor.u32 s7, s0;
	[tilespmem:s31+$0x0] =	vst v36  }
0x28d: {  	[tilespmem:s14+$0x0] =	vst v38;
	s19 =	sor.u32 s5, s12;
	v41 =	vld.idx.msk [tilespmem:v5+s15+$0x0], $0xffff  }
0x28e: {  	v48 =	vld.idx.msk [tilespmem:v2+s16+$0x0], $0xffff;
	s31 =	sor.u32 s10, s12;
	[tilespmem:s19+$0x0] =	vst v9  }
0x28f: {  	s8 =	sadd.s32 $0x1C080, s8;
	s14 =	sor.u32 s11, s12;
	[tilespmem:s31+$0x0] =	vst v39;
	v44 =	vld.idx.msk [tilespmem:v11+s24+$0x0], $0xffff  }
0x290: {  	s15 =	sor.u32 s9, s8;
	[tilespmem:s14+$0x0] =	vst v40;
	v45 =	vld.idx.msk [tilespmem:v10+s24+$0x0], $0xffff  }
0x291: {  	s12 =	sor.u32 s30, s12;
	[tilespmem:s15+$0x0] =	vst v42;
	v46 =	vld.idx.msk [tilespmem:v12+s24+$0x0], $0xffff  }
0x292: {  	v49 =	vld.idx.msk [tilespmem:v3+s23+$0x0], $0xffff;
	s19 =	sor.u32 s3, s0;
	s31 =	sadd.s32 $0x19880, s2;
	[tilespmem:s12+$0x0] =	vst v41  }
0x293: {  	[tilespmem:s19+$0x0] =	vst v43;
	s13 =	sor.u32 s5, s31;
	v47 =	vld.idx.msk [tilespmem:v5+s24+$0x0], $0xffff  }
0x294: {  	s14 =	sor.u32 s10, s31;
	v52 =	vld.idx.msk [tilespmem:v1+s23+$0x0], $0xffff;
	[tilespmem:s13+$0x0] =	vst v44  }
0x295: {  	s15 =	sor.u32 s11, s31;
	[tilespmem:s14+$0x0] =	vst v45;
	v6 =	vld.idx.msk [tilespmem:v11+s26+$0x0], $0xffff  }
0x296: {  	s0 =	sor.u32 s6, s0;
	[tilespmem:s15+$0x0] =	vst v46;
	v7 =	vld.idx.msk [tilespmem:v10+s26+$0x0], $0xffff  }
0x297: {  	s9 =	sor.u32 s30, s31;
	[tilespmem:s0+$0x0] =	vst v48;
	v50 =	vld.idx.msk [tilespmem:v12+s26+$0x0], $0xffff  }
0x298: {  	s19 =	sor.u32 s7, s4;
	s24 =	sadd.s32 $0x1A080, s2;
	v53 =	vld.idx.msk [tilespmem:v2+s23+$0x0], $0xffff;
	[tilespmem:s9+$0x0] =	vst v47  }
0x299: {  	[tilespmem:s19+$0x0] =	vst v49;
	s31 =	sor.u32 s5, s24;
	v51 =	vld.idx.msk [tilespmem:v5+s26+$0x0], $0xffff  }
0x29a: {  	s12 =	sor.u32 s10, s24;
	v56 =	vld.idx.msk [tilespmem:v3+s20+$0x0], $0xffff;
	[tilespmem:s31+$0x0] =	vst v6  }
0x29b: {  	s13 =	sor.u32 s11, s24;
	[tilespmem:s12+$0x0] =	vst v7;
	v6 =	vld.idx.msk [tilespmem:v11+s16+$0x0], $0xffff  }
0x29c: {  	s14 =	sor.u32 s3, s4;
	[tilespmem:s13+$0x0] =	vst v50;
	v54 =	vld.idx.msk [tilespmem:v10+s16+$0x0], $0xffff  }
0x29d: {  	s0 =	sor.u32 s30, s24;
	[tilespmem:s14+$0x0] =	vst v52;
	v55 =	vld.idx.msk [tilespmem:v12+s16+$0x0], $0xffff  }
0x29e: {  	s4 =	sor.u32 s6, s4;
	s15 =	sadd.s32 $0x1A880, s2;
	v57 =	vld.idx.msk [tilespmem:v1+s20+$0x0], $0xffff;
	[tilespmem:s0+$0x0] =	vst v51  }
0x29f: {  	[tilespmem:s4+$0x0] =	vst v53;
	v9 =	vld.idx.msk [tilespmem:v5+s16+$0x0], $0xffff;
	s16 =	sor.u32 s5, s15  }
0x2a0: {  	s19 =	sor.u32 s10, s15;
	[tilespmem:s16+$0x0] =	vst v6  }
0x2a1: {  	s24 =	sor.u32 s11, s15;
	[tilespmem:s19+$0x0] =	vst v54;
	v58 =	vld.idx.msk [tilespmem:v11+s23+$0x0], $0xffff  }
0x2a2: {  	s26 =	sor.u32 s7, s1;
	v59 =	vld.idx.msk [tilespmem:v10+s23+$0x0], $0xffff;
	[tilespmem:s24+$0x0] =	vst v55  }
0x2a3: {  	[tilespmem:s26+$0x0] =	vst v56;
	s31 =	sor.u32 s3, s1;
	v7 =	vld.idx.msk [tilespmem:v12+s23+$0x0], $0xffff  }
0x2a4: {  	s9 =	sadd.s32 $0x1B080, s2;
	v60 =	vld.idx.msk [tilespmem:v2+s20+$0x0], $0xffff;
	s0 =	sor.u32 s30, s15;
	[tilespmem:s31+$0x0] =	vst v57  }
0x2a5: {  	v3 =	vld.idx.msk [tilespmem:v3+s25+$0x0], $0xffff;
	s12 =	sor.u32 s5, s9;
	[tilespmem:s0+$0x0] =	vst v9  }
0x2a6: {  	s13 =	sor.u32 s10, s9;
	v9 =	vld.idx.msk [tilespmem:v5+s23+$0x0], $0xffff;
	[tilespmem:s12+$0x0] =	vst v58  }
0x2a7: {  	s14 =	sor.u32 s11, s9;
	[tilespmem:s13+$0x0] =	vst v59;
	v4 =	vld.idx.msk [tilespmem:v11+s20+$0x0], $0xffff  }
0x2a8: {  	s16 =	sor.u32 s6, s1;
	[tilespmem:s14+$0x0] =	vst v7;
	v6 =	vld.idx.msk [tilespmem:v10+s20+$0x0], $0xffff  }
0x2a9: {  	s19 =	sor.u32 s7, s8;
	[tilespmem:s16+$0x0] =	vst v60;
	v7 =	vld.idx.msk [tilespmem:v12+s20+$0x0], $0xffff  }
0x2aa: {  	s15 =	sor.u32 s30, s9;
	v1 =	vld.idx.msk [tilespmem:v1+s25+$0x0], $0xffff;
	[tilespmem:s19+$0x0] =	vst v3;
	s23 =	sadd.s32 $0x1B880, s2  }
0x2ab: {  	v2 =	vld.idx.msk [tilespmem:v2+s25+$0x0], $0xffff;
	s24 =	sor.u32 s5, s23;
	[tilespmem:s15+$0x0] =	vst v9  }
0x2ac: {  	s26 =	sor.u32 s10, s23;
	v61 =	vld.idx.msk [tilespmem:v5+s20+$0x0], $0xffff;
	[tilespmem:s24+$0x0] =	vst v4  }
0x2ad: {  	s31 =	sor.u32 s11, s23;
	[tilespmem:s26+$0x0] =	vst v6;
	v3 =	vld.idx.msk [tilespmem:v11+s25+$0x0], $0xffff  }
0x2ae: {  	s3 =	sor.u32 s3, s8;
	[tilespmem:s31+$0x0] =	vst v7;
	v62 =	vld.idx.msk [tilespmem:v10+s25+$0x0], $0xffff  }
0x2af: {  	s4 =	sor.u32 s6, s8;
	[tilespmem:s3+$0x0] =	vst v1;
	v63 =	vld.idx.msk [tilespmem:v12+s25+$0x0], $0xffff  }
0x2b0: {  	s6 =	sadd.s32 $0x1C080, s2;
	s0 =	sor.u32 s30, s23;
	[tilespmem:s4+$0x0] =	vst v2  }
0x2b1: {  	s7 =	sor.u32 s5, s6;
	[tilespmem:s0+$0x0] =	vst v61  }
0x2b2: {  	s8 =	sor.u32 s10, s6;
	v1 =	vld.idx.msk [tilespmem:v5+s25+$0x0], $0xffff;
	[tilespmem:s7+$0x0] =	vst v3  }
0x2b3: {  	s9 =	sor.u32 s11, s6;
	s12 =	rddreg [dreg:$0x3];
	[tilespmem:s8+$0x0] =	vst v62  }
0x2b4: {  	s10 =	rddreg [dreg:$0xf];
	[tilespmem:s9+$0x0] =	vst v63  }
0x2b5: {  	s3 =	simm.s32 $0x400;
	s2 =	sshll.u32 s10, $0x4;
	s13 =	rddreg [dreg:$0xe]  }
0x2b6: {  	s0 =	sor.u32 s30, s6;
	s11 =	sand.u32 $0x70, s2;
	s2 =	sadd.s32 s12, s13  }
0x2b7: {  	s14 =	simm.s32 $0x14880;
	[tilespmem:s0+$0x0] =	vst v1;
	s0 =	sadd.s32 s11, s2;
	s2 =	simm.s32 $0x80  }
0x2b8: {  	[hbm4b:s0+s2] =	stream.strided.scatter [tilespmem:s14], [sflag:$0x2], $0x800, s3, s2, $0x38;
	[tilespmem:$0x1C880] =	vst v63  }
0x2b9: {  	s16 =	simm.s32 $0x15080;
	s15 =	sadd.s32 $0x80000, s0  }
0x2ba: {  	[hbm4b:s15+s2] =	stream.strided.scatter [tilespmem:s16], [sflag:$0x2], $0x800, s3, s2, $0x38;
	[tilespmem:$0x1C880] =	vst v63  }
0x2bb: {  	s20 =	simm.s32 $0x15880;
	s19 =	sadd.s32 $0x100000, s0  }
0x2bc: {  	[hbm4b:s19+s2] =	stream.strided.scatter [tilespmem:s20], [sflag:$0x2], $0x800, s3, s2, $0x38;
	[tilespmem:$0x1C880] =	vst v63  }
0x2bd: {  	s24 =	simm.s32 $0x16080;
	s23 =	sadd.s32 $0x180000, s0  }
0x2be: {  	[hbm4b:s23+s2] =	stream.strided.scatter [tilespmem:s24], [sflag:$0x2], $0x800, s3, s2, $0x38;
	[tilespmem:$0x1C880] =	vst v63  }
0x2bf: {  	s26 =	simm.s32 $0x16880;
	s25 =	sadd.s32 $0x200000, s0  }
0x2c0: {  	[hbm4b:s25+s2] =	stream.strided.scatter [tilespmem:s26], [sflag:$0x2], $0x800, s3, s2, $0x38;
	[tilespmem:$0x1C880] =	vst v63  }
0x2c1: {  	s31 =	simm.s32 $0x17080;
	s30 =	sadd.s32 $0x280000, s0  }
0x2c2: {  	[hbm4b:s30+s2] =	stream.strided.scatter [tilespmem:s31], [sflag:$0x2], $0x800, s3, s2, $0x38;
	[tilespmem:$0x1C880] =	vst v63  }
0x2c3: {  	s6 =	simm.s32 $0x17880;
	s5 =	sadd.s32 $0x300000, s0  }
0x2c4: {  	[hbm4b:s5+s2] =	stream.strided.scatter [tilespmem:s6], [sflag:$0x2], $0x800, s3, s2, $0x38;
	[tilespmem:$0x1C880] =	vst v63  }
0x2c5: {  	s8 =	simm.s32 $0x18080;
	s7 =	sadd.s32 $0x380000, s0  }
0x2c6: {  	[hbm4b:s7+s2] =	stream.strided.scatter [tilespmem:s8], [sflag:$0x2], $0x800, s3, s2, $0x38;
	[tilespmem:$0x1C880] =	vst v63  }
0x2c7: {  	s10 =	simm.s32 $0x18880;
	s9 =	sadd.s32 $0x400000, s0  }
0x2c8: {  	[hbm4b:s9+s2] =	stream.strided.scatter [tilespmem:s10], [sflag:$0x2], $0x800, s3, s2, $0x38;
	[tilespmem:$0x1C880] =	vst v63  }
0x2c9: {  	s12 =	simm.s32 $0x19080;
	s11 =	sadd.s32 $0x480000, s0  }
0x2ca: {  	[hbm4b:s11+s2] =	stream.strided.scatter [tilespmem:s12], [sflag:$0x2], $0x800, s3, s2, $0x38;
	[tilespmem:$0x1C880] =	vst v63  }
0x2cb: {  	s13 =	sadd.s32 $0x500000, s0;
	s14 =	simm.s32 $0x19880  }
0x2cc: {  	[hbm4b:s13+s2] =	stream.strided.scatter [tilespmem:s14], [sflag:$0x2], $0x800, s3, s2, $0x38;
	[tilespmem:$0x1C880] =	vst v63  }
0x2cd: {  	s15 =	sadd.s32 $0x580000, s0;
	s16 =	simm.s32 $0x1A080  }
0x2ce: {  	[hbm4b:s15+s2] =	stream.strided.scatter [tilespmem:s16], [sflag:$0x2], $0x800, s3, s2, $0x38;
	[tilespmem:$0x1C880] =	vst v63  }
0x2cf: {  	s19 =	sadd.s32 $0x600000, s0;
	s20 =	simm.s32 $0x1A880  }
0x2d0: {  	[hbm4b:s19+s2] =	stream.strided.scatter [tilespmem:s20], [sflag:$0x2], $0x800, s3, s2, $0x38;
	[tilespmem:$0x1C880] =	vst v63  }
0x2d1: {  	s23 =	sadd.s32 $0x680000, s0;
	s24 =	simm.s32 $0x1B080  }
0x2d2: {  	[hbm4b:s23+s2] =	stream.strided.scatter [tilespmem:s24], [sflag:$0x2], $0x800, s3, s2, $0x38;
	[tilespmem:$0x1C880] =	vst v63  }
0x2d3: {  	s25 =	sadd.s32 $0x700000, s0;
	s26 =	simm.s32 $0x1B880  }
0x2d4: {  	[hbm4b:s25+s2] =	stream.strided.scatter [tilespmem:s26], [sflag:$0x2], $0x800, s3, s2, $0x38;
	[tilespmem:$0x1C880] =	vst v63  }
0x2d5: {  	s0 =	sadd.s32 $0x780000, s0;
	s30 =	simm.s32 $0x1C080;
	s31 =	rddreg [dreg:$0xb]  }
0x2d6: {  	[hbm4b:s0+s2] =	stream.strided.scatter [tilespmem:s30], [sflag:$0x2], $0x800, s3, s2, $0x38;
	[tilespmem:$0x1C880] =	vst v63  }
0x2d7: {  	s0 =	sadd.s32 $0x1, s31  }
0x2d8: {  	p0 =	sne.s32 s0, $0x20  }
.Ltmp2:
0x2d9: {  	_ = 	snop;
	(pc) =	sbr.rel @p0 .LBB2_2-.Ltmp2, $4  }
0x2da: {  	_ = 	snop  }
0x2db: {  	s29 =	simm.s32 $0x7800;
	s28 =	simm.s32 $0x5400;
	s14 =	simm.s32 $0x8400  }
0x2dc: {  	s16 =	simm.s32 $0x3000;
	s15 =	simm.s32 $0x6C00;
	s19 =	simm.s32 $0x3C00  }
0x2dd: {  	s20 =	simm.s32 $0x4800;
	s23 =	simm.s32 $0x6000;
	s24 =	simm.s32 $0x9000  }
0x2de: {  	s0 =	simm.s32 $0x1  }
0x2df: {  	_ =	swait.ge [sflag:s0], $0x8000  }
0x2e0: {  	[sflag:s0] =	ssyncset.done $0x0  }
0x2e1: {  	s1 =	simm.s32 $0x2;
	[sflag:s0] =	ssyncadd.s32 $0xFFFF8000  }
0x2e2: {  	_ =	swait.ge [sflag:s1], $0x8000  }
0x2e3: {  	s2 =	rddreg [dreg:$0xa]  }
0x2e4: {  	s31 =	rddreg [dreg:$0x9];
	s2 =	sadd.s32 $0x1, s2  }
0x2e5: {  	p0 =	sne.s32 s2, s31  }
.Ltmp3:
0x2e6: {  	_ = 	snop;
	(pc) =	sbr.rel @p0 .LBB2_1-.Ltmp3, $3  }
0x2e7: {  	_ =	sdelay $0x1  }
0x2e8: {  	[sflag:s1] =	ssyncset.done $0x0  }
0x2e9: {  	[sflag:s1] =	ssyncadd.s32 $0xFFFF8000  }
0x2ea: {  	_ =	sfence.sel $0x180000  }
0x2eb: {  	[bflag:$0x0] =	sbarrier.arrive $0xFFFF  }
0x2ec: {  	_ =	strace $0x90000047  }
0x2ed: {  	s0 =	stileid.u32;
	[bflag:$0x2] =	sbarrier.arrive $0xFFFF  }
0x2ee: {  	p0 =	sne.s32 s0, $0x0;
	s0 =	rddreg [dreg:$0x4]  }
0x2ef: {  	s0 =	sadd.s32 @!p0 $0x100000, s0  }
0x2f0: {  	[sflag:s0] =	ssyncadd.tile.s32 @!p0 $0x1;
	_ =	shalt  }
.Lfunc_end2:
_tile_overlayer_lowered:
.L_overlay_start_2:
0x2f1: {  	(tag) =	ssettag $0x2  }
0x2f2: {  	s0 =	rddreg [dreg:$0x0];
	s2 =	stileid.u32  }
0x2f3: {  	s1 =	rddreg [dreg:$0x1];
	p0 =	sne.s32 s2, $0x0  }
0x2f4: {  	s3 =	rddreg [dreg:$0x2];
	[bflag:$0x3] =	sbarrier.arrive $0xFFFF;
	s2 =	simm.s32 @!p0 $0x1C03  }
0x2f5: {  	[timem:s3], [sflag:s2] =	dma.local @!p0 [hbm:s0], s1  }
0x2f6: {  	s0 =	simm.s32 @!p0 $0x3  }
0x2f7: {  	_ =	swait.ge @!p0 [sflag:s0], s1  }
0x2f8: {  	s1 =	ssub.s32 @!p0 $0x0, s1;
	[sflag:s0] =	ssyncset.done @!p0 $0x0  }
0x2f9: {  	[sflag:s0] =	ssyncadd.s32 @!p0 s1  }
0x2fa: {  	[bflag:$0x3] =	sbarrier.arrive $0xFFFF  }
0x2fb: {  	_ =	shalt  }

</sc_bundles>
